<compile_context>
chip_gen: v7x
topology: tpu7x:2x2x1
jax: 0.10.2.dev20260603
libtpu: 0.0.44.dev20260713+nightly
codegen_flags: <defaults>
</compile_context>

<pallas_src>
import functools

import jax
import jax.numpy as jnp
from jax import lax
from jax.experimental import pallas as pl
from jax.experimental.pallas import tpu as pltpu
from jax.experimental.pallas import tpu_sc as plsc

B = 1024
V = 100000
VT = V // 8
NIDS = 2048

NW = 32
CHUNK = 3136
V_PAD = NW * CHUNK
RPW = B // NW

BT = 250
GB = VT // BT

_SC_PARAMS = dict(
    compiler_params=pltpu.CompilerParams(needs_layout_passes=False),
)


def _sc_scale_body(top_hbm, bot_hbm, fac_hbm, s_hbm, chunk_v, top_v, bot_v,
                   fac_v):
    wid = lax.axis_index("s") * 2 + lax.axis_index("c")
    base = wid * CHUNK
    pltpu.sync_copy(top_hbm, top_v)
    pltpu.sync_copy(bot_hbm, bot_v)
    pltpu.sync_copy(fac_hbm, fac_v)
    v_gen = fac_v[pl.ds(0, 16)]
    v_top = fac_v[pl.ds(16, 16)]
    inv_b = fac_v[pl.ds(32, 16)]

    def fill(i, carry):
        chunk_v[pl.ds(i * 16, 16)] = v_gen
        return carry

    lax.fori_loop(0, CHUNK // 16, fill, 0, unroll=8)

    def scat_top(j, carry):
        ids = top_v[pl.ds(j * 16, 16)]
        msk = (ids >= base) & (ids < base + CHUNK)
        loc = jnp.where(msk, ids - base, 0)
        plsc.store_scatter(chunk_v, [loc], v_top, mask=msk)
        return carry

    lax.fori_loop(0, NIDS // 16, scat_top, 0, unroll=8)

    def scat_bot(j, carry):
        ids = bot_v[pl.ds(j * 16, 16)]
        msk = (ids >= base) & (ids < base + CHUNK)
        loc = jnp.where(msk, ids - base, 0)
        cur = plsc.load_gather(chunk_v, [loc], mask=msk)
        plsc.store_scatter(chunk_v, [loc], cur * inv_b, mask=msk)
        return carry

    lax.fori_loop(0, NIDS // 16, scat_bot, 0, unroll=8)
    pltpu.sync_copy(chunk_v, s_hbm.at[pl.ds(base, CHUNK)])


def _sc_gather_body(xflat_hbm, s_hbm, tok_hbm, tval_hbm, tok_v, idx_v, xg_v,
                    sg_v, tv_v, sem):
    wid = lax.axis_index("s") * 2 + lax.axis_index("c")
    base = wid * RPW
    pltpu.sync_copy(tok_hbm.at[pl.ds(base, RPW)], tok_v)

    def mkidx(j, carry):
        tok = tok_v[pl.ds(j * 16, 16)]
        row = base + j * 16 + lax.iota(jnp.int32, 16)
        off = ((tok >> 3) * 8192 + (row >> 7) * 1024 +
               (tok & 7) * 128 + (row & 127))
        idx_v[pl.ds(j * 16, 16)] = off
        return carry

    lax.fori_loop(0, RPW // 16, mkidx, 0, unroll=2)
    pltpu.async_copy(xflat_hbm.at[idx_v], xg_v, sem).wait()
    pltpu.async_copy(s_hbm.at[tok_v], sg_v, sem).wait()

    def mul(j, carry):
        tv_v[pl.ds(j * 16, 16)] = (xg_v[pl.ds(j * 16, 16)] *
                                   sg_v[pl.ds(j * 16, 16)])
        return carry

    lax.fori_loop(0, RPW // 16, mul, 0, unroll=2)
    pltpu.sync_copy(tv_v, tval_hbm.at[pl.ds(base, RPW)])


@functools.cache
def _sc_kernels():
    mesh = plsc.VectorSubcoreMesh(core_axis_name="c", subcore_axis_name="s",
                                  num_cores=2, num_subcores=16)
    build_scale = pl.kernel(
        _sc_scale_body,
        out_type=jax.ShapeDtypeStruct((V_PAD,), jnp.float32),
        mesh=mesh,
        scratch_types=[
            pltpu.VMEM((CHUNK,), jnp.float32),
            pltpu.VMEM((NIDS,), jnp.int32),
            pltpu.VMEM((NIDS,), jnp.int32),
            pltpu.VMEM((48,), jnp.float32),
        ],
        **_SC_PARAMS,
    )
    tok_gather = pl.kernel(
        _sc_gather_body,
        out_type=jax.ShapeDtypeStruct((B,), jnp.float32),
        mesh=mesh,
        scratch_types=[
            pltpu.VMEM((RPW,), jnp.int32),
            pltpu.VMEM((RPW,), jnp.int32),
            pltpu.VMEM((RPW,), jnp.float32),
            pltpu.VMEM((RPW,), jnp.float32),
            pltpu.VMEM((RPW,), jnp.float32),
            pltpu.SemaphoreType.DMA,
        ],
        **_SC_PARAMS,
    )
    return build_scale, tok_gather


def _tc_body(xt_ref, s_ref, tv_ref, o_ref, l_ref):
    g = pl.program_id(0)

    @pl.when(g == 0)
    def _init():
        l_ref[...] = jnp.zeros((1, 8, 1, 128), jnp.float32)

    scaled = xt_ref[...] * s_ref[0][:, None, :, None]
    l_ref[...] += jnp.sum(jnp.exp2(scaled), axis=(0, 2), keepdims=True)

    @pl.when(g == GB - 1)
    def _last():
        o_ref[...] = jnp.exp2(tv_ref[...]) / l_ref[...]


def _tc_call(xt4, s2, tv4):
    return pl.pallas_call(
        _tc_body,
        grid=(GB,),
        in_specs=[
            pl.BlockSpec((BT, 8, 8, 128), lambda g: (g, 0, 0, 0)),
            pl.BlockSpec((1, BT, 8), lambda g: (g, 0, 0)),
            pl.BlockSpec((1, 8, 1, 128), lambda g: (0, 0, 0, 0)),
        ],
        out_specs=pl.BlockSpec((1, 8, 1, 128), lambda g: (0, 0, 0, 0)),
        out_shape=jax.ShapeDtypeStruct((1, 8, 1, 128), jnp.float32),
        scratch_shapes=[
            pltpu.VMEM((1, 8, 1, 128), jnp.float32),
        ],
    )(xt4, s2, tv4)


def kernel(x, tokens, top_token_ids, bot_token_ids, top_temp, bot_temp,
           general_temp):
    log2e = jnp.float32(1.4426950408889634)
    f_gen = (log2e / general_temp).astype(jnp.float32)
    f_top = (f_gen / top_temp).astype(jnp.float32)
    inv_b = (1.0 / bot_temp).astype(jnp.float32)
    fac = jnp.concatenate([
        jnp.broadcast_to(f_gen, (16,)),
        jnp.broadcast_to(f_top, (16,)),
        jnp.broadcast_to(inv_b, (16,)),
    ])
    build_scale, tok_gather = _sc_kernels()
    tok32 = tokens.astype(jnp.int32)
    xt4 = x.reshape(8, 128, VT, 8).transpose(2, 0, 3, 1)
    s = build_scale(top_token_ids.astype(jnp.int32),
                    bot_token_ids.astype(jnp.int32), fac)
    tval = tok_gather(xt4.reshape(V * B), s, tok32)
    out4 = _tc_call(xt4, s[:V].reshape(GB, BT, 8), tval.reshape(1, 8, 1, 128))
    return out4.reshape(B)

# --- scband reference (transcript-rebuilt; emitter-appended) ---
"""Pipeline reference for scband-tiered-tsmodel-47278999994568 (READ-ONLY COPY).

The authoritative reference and input builder live on the scoring server;
editing this copy changes nothing except your own understanding.
"""

import jax, jax.numpy as jnp
import numpy as np

B = 1024
V = 100000
NID = 2048

def setup_inputs(seed: int = 0) -> dict:
    key = jax.random.key(seed)
    k1, k2, k3, k4 = jax.random.split(key, 4)
    x = jax.random.normal(k1, (B, V), dtype=jnp.float32)
    tokens = jax.random.randint(k2, (B,), 0, V, dtype=jnp.int64) if jax.config.jax_enable_x64 else jax.random.randint(k2, (B,), 0, V, dtype=jnp.int32)
    # unique id sets mimicking set_tokens(top_token_ids, bot_token_ids)
    top_token_ids = jax.random.permutation(k3, V)[:NID]
    bot_token_ids = jax.random.permutation(k4, V)[:NID]
    top_temp = jnp.array(1.0, dtype=jnp.float32)
    bot_temp = jnp.array(1.0, dtype=jnp.float32)
    general_temp = jnp.array(1.0, dtype=jnp.float32)
    return {"x": x, "tokens": tokens, "top_token_ids": top_token_ids,
            "bot_token_ids": bot_token_ids, "top_temp": top_temp,
            "bot_temp": bot_temp, "general_temp": general_temp}

def reference(x, tokens, top_token_ids, bot_token_ids, top_temp, bot_temp, general_temp):
    # x[:, top_ids] = x[:, top_ids] / top_temp  (gather + scatter-overwrite)
    x = x.at[:, top_token_ids].set(x[:, top_token_ids] / top_temp)
    # x[:, bot_ids] = x[:, bot_ids] / bot_temp
    x = x.at[:, bot_token_ids].set(x[:, bot_token_ids] / bot_temp)
    x = x / general_temp
    p = jax.nn.softmax(x, axis=1)
    # take_along_dim(p, tokens.unsqueeze(1), dim=1).squeeze(1)
    out = jnp.take_along_axis(p, tokens[:, None], axis=1).squeeze(1)
    return out

if __name__ == "__main__":
    import jax
    _d = setup_inputs()
    print(jax.jit(kernel)(*tuple(_d.values())))

</pallas_src>

<mosaic_0001>
#map = affine_map<(d0, d1) -> (0)>
module attributes {stable_mosaic.version = 14 : i64} {
  func.func @_sc_scale_body(%arg0: i32, %arg1: i32, %arg2: memref<2048xi32, #tpu.memory_space<hbm>>, %arg3: memref<2048xi32, #tpu.memory_space<hbm>>, %arg4: memref<48xf32, #tpu.memory_space<hbm>>, %arg5: memref<100352xf32, #tpu.memory_space<hbm>>, %arg6: memref<3136xf32, #tpu.memory_space<vmem>>, %arg7: memref<2048xi32, #tpu.memory_space<vmem>>, %arg8: memref<2048xi32, #tpu.memory_space<vmem>>, %arg9: memref<48xf32, #tpu.memory_space<vmem>>) attributes {dimension_semantics = [#tpu.dimension_semantics<core_parallel>, #tpu.dimension_semantics<subcore_parallel>], iteration_bounds = array<i64: 2, 16>, scalar_prefetch = 0 : i64, scratch_operands = 4 : i64, tpu.core_type = #tpu.core_type<sc_vector_subcore>, window_params = [{transform_indices = #map}, {transform_indices = #map}, {transform_indices = #map}, {transform_indices = #map}]} {
    %mul3A = arith.constant 2 : i32
    %mul3A_0 = arith.muli %arg1, %mul3A : i32
    %add3A = arith.addi %mul3A_0, %arg0 : i32
    %mul3A_1 = arith.constant 3136 : i32
    %mul3A_2 = arith.muli %add3A, %mul3A_1 : i32
    "tpu.region"() ({
      %run_scoped3A = tpu.sem_alloc : memref<!tpu.dma_semaphore, #tpu.memory_space<semaphore_mem>>
      tpu.enqueue_dma source(%arg2 : memref<2048xi32, #tpu.memory_space<hbm>>) target(%arg7 : memref<2048xi32, #tpu.memory_space<vmem>>) target_semaphore(%run_scoped3A : memref<!tpu.dma_semaphore, #tpu.memory_space<semaphore_mem>>)
      tpu.wait_dma2 semaphore(%run_scoped3A : memref<!tpu.dma_semaphore, #tpu.memory_space<semaphore_mem>>) src(%arg2 : memref<2048xi32, #tpu.memory_space<hbm>>) dst(%arg7 : memref<2048xi32, #tpu.memory_space<vmem>>)
      tpu.yield
    }) : () -> ()
    "tpu.region"() ({
      %run_scoped3A = tpu.sem_alloc : memref<!tpu.dma_semaphore, #tpu.memory_space<semaphore_mem>>
      tpu.enqueue_dma source(%arg3 : memref<2048xi32, #tpu.memory_space<hbm>>) target(%arg8 : memref<2048xi32, #tpu.memory_space<vmem>>) target_semaphore(%run_scoped3A : memref<!tpu.dma_semaphore, #tpu.memory_space<semaphore_mem>>)
      tpu.wait_dma2 semaphore(%run_scoped3A : memref<!tpu.dma_semaphore, #tpu.memory_space<semaphore_mem>>) src(%arg3 : memref<2048xi32, #tpu.memory_space<hbm>>) dst(%arg8 : memref<2048xi32, #tpu.memory_space<vmem>>)
      tpu.yield
    }) : () -> ()
    "tpu.region"() ({
      %run_scoped3A = tpu.sem_alloc : memref<!tpu.dma_semaphore, #tpu.memory_space<semaphore_mem>>
      tpu.enqueue_dma source(%arg4 : memref<48xf32, #tpu.memory_space<hbm>>) target(%arg9 : memref<48xf32, #tpu.memory_space<vmem>>) target_semaphore(%run_scoped3A : memref<!tpu.dma_semaphore, #tpu.memory_space<semaphore_mem>>)
      tpu.wait_dma2 semaphore(%run_scoped3A : memref<!tpu.dma_semaphore, #tpu.memory_space<semaphore_mem>>) src(%arg4 : memref<48xf32, #tpu.memory_space<hbm>>) dst(%arg9 : memref<48xf32, #tpu.memory_space<vmem>>)
      tpu.yield
    }) : () -> ()
    %get3A = arith.constant 0 : index
    %get3A_3 = tpu.vector_load %arg9[%get3A] {strides = array<i32>} : memref<48xf32, #tpu.memory_space<vmem>>, vector<16xf32>,
    %get3A_4 = arith.constant 16 : index
    %get3A_5 = tpu.vector_load %arg9[%get3A_4] {strides = array<i32>} : memref<48xf32, #tpu.memory_space<vmem>>, vector<16xf32>,
    %get3A_6 = arith.constant 32 : index
    %get3A_7 = tpu.vector_load %arg9[%get3A_6] {strides = array<i32>} : memref<48xf32, #tpu.memory_space<vmem>>, vector<16xf32>,
    %scan3A = arith.constant 0 : i32
    %scan3A_8 = arith.constant 0 : i32
    %scan3A_9 = arith.constant 192 : i32
    %scan3A_10 = arith.addi %scan3A_8, %scan3A_9 : i32
    %scan3A_11 = arith.constant 8 : i32
    scf.for %scan3A_48 = %scan3A_8 to %scan3A_10 step %scan3A_11  : i32 {
      %mul3A_49 = arith.constant 16 : i32
      %mul3A_50 = arith.muli %scan3A_48, %mul3A_49 : i32
      %swap3A_51 = arith.index_cast %mul3A_50 : i32 to index
      %swap3A_52 = tpu.vector_load %arg6[%swap3A_51] {strides = array<i32>} : memref<3136xf32, #tpu.memory_space<vmem>>, vector<16xf32>,
      tpu.vector_store %arg6[%swap3A_51], %get3A_3 {strides = array<i32>} : memref<3136xf32, #tpu.memory_space<vmem>>, vector<16xf32>,
      %scan3A_53 = arith.constant 1 : i32
      %scan3A_54 = arith.addi %scan3A_48, %scan3A_53 : i32
      %mul3A_55 = arith.constant 16 : i32
      %mul3A_56 = arith.muli %scan3A_54, %mul3A_55 : i32
      %swap3A_57 = arith.index_cast %mul3A_56 : i32 to index
      %swap3A_58 = tpu.vector_load %arg6[%swap3A_57] {strides = array<i32>} : memref<3136xf32, #tpu.memory_space<vmem>>, vector<16xf32>,
      tpu.vector_store %arg6[%swap3A_57], %get3A_3 {strides = array<i32>} : memref<3136xf32, #tpu.memory_space<vmem>>, vector<16xf32>,
      %scan3A_59 = arith.constant 2 : i32
      %scan3A_60 = arith.addi %scan3A_48, %scan3A_59 : i32
      %mul3A_61 = arith.constant 16 : i32
      %mul3A_62 = arith.muli %scan3A_60, %mul3A_61 : i32
      %swap3A_63 = arith.index_cast %mul3A_62 : i32 to index
      %swap3A_64 = tpu.vector_load %arg6[%swap3A_63] {strides = array<i32>} : memref<3136xf32, #tpu.memory_space<vmem>>, vector<16xf32>,
      tpu.vector_store %arg6[%swap3A_63], %get3A_3 {strides = array<i32>} : memref<3136xf32, #tpu.memory_space<vmem>>, vector<16xf32>,
      %scan3A_65 = arith.constant 3 : i32
      %scan3A_66 = arith.addi %scan3A_48, %scan3A_65 : i32
      %mul3A_67 = arith.constant 16 : i32
      %mul3A_68 = arith.muli %scan3A_66, %mul3A_67 : i32
      %swap3A_69 = arith.index_cast %mul3A_68 : i32 to index
      %swap3A_70 = tpu.vector_load %arg6[%swap3A_69] {strides = array<i32>} : memref<3136xf32, #tpu.memory_space<vmem>>, vector<16xf32>,
      tpu.vector_store %arg6[%swap3A_69], %get3A_3 {strides = array<i32>} : memref<3136xf32, #tpu.memory_space<vmem>>, vector<16xf32>,
      %scan3A_71 = arith.constant 4 : i32
      %scan3A_72 = arith.addi %scan3A_48, %scan3A_71 : i32
      %mul3A_73 = arith.constant 16 : i32
      %mul3A_74 = arith.muli %scan3A_72, %mul3A_73 : i32
      %swap3A_75 = arith.index_cast %mul3A_74 : i32 to index
      %swap3A_76 = tpu.vector_load %arg6[%swap3A_75] {strides = array<i32>} : memref<3136xf32, #tpu.memory_space<vmem>>, vector<16xf32>,
      tpu.vector_store %arg6[%swap3A_75], %get3A_3 {strides = array<i32>} : memref<3136xf32, #tpu.memory_space<vmem>>, vector<16xf32>,
      %scan3A_77 = arith.constant 5 : i32
      %scan3A_78 = arith.addi %scan3A_48, %scan3A_77 : i32
      %mul3A_79 = arith.constant 16 : i32
      %mul3A_80 = arith.muli %scan3A_78, %mul3A_79 : i32
      %swap3A_81 = arith.index_cast %mul3A_80 : i32 to index
      %swap3A_82 = tpu.vector_load %arg6[%swap3A_81] {strides = array<i32>} : memref<3136xf32, #tpu.memory_space<vmem>>, vector<16xf32>,
      tpu.vector_store %arg6[%swap3A_81], %get3A_3 {strides = array<i32>} : memref<3136xf32, #tpu.memory_space<vmem>>, vector<16xf32>,
      %scan3A_83 = arith.constant 6 : i32
      %scan3A_84 = arith.addi %scan3A_48, %scan3A_83 : i32
      %mul3A_85 = arith.constant 16 : i32
      %mul3A_86 = arith.muli %scan3A_84, %mul3A_85 : i32
      %swap3A_87 = arith.index_cast %mul3A_86 : i32 to index
      %swap3A_88 = tpu.vector_load %arg6[%swap3A_87] {strides = array<i32>} : memref<3136xf32, #tpu.memory_space<vmem>>, vector<16xf32>,
      tpu.vector_store %arg6[%swap3A_87], %get3A_3 {strides = array<i32>} : memref<3136xf32, #tpu.memory_space<vmem>>, vector<16xf32>,
      %scan3A_89 = arith.constant 7 : i32
      %scan3A_90 = arith.addi %scan3A_48, %scan3A_89 : i32
      %mul3A_91 = arith.constant 16 : i32
      %mul3A_92 = arith.muli %scan3A_90, %mul3A_91 : i32
      %swap3A_93 = arith.index_cast %mul3A_92 : i32 to index
      %swap3A_94 = tpu.vector_load %arg6[%swap3A_93] {strides = array<i32>} : memref<3136xf32, #tpu.memory_space<vmem>>, vector<16xf32>,
      tpu.vector_store %arg6[%swap3A_93], %get3A_3 {strides = array<i32>} : memref<3136xf32, #tpu.memory_space<vmem>>, vector<16xf32>,
    }
    %scan3A_12 = arith.constant 192 : i32
    %scan3A_13 = arith.addi %scan3A_8, %scan3A_12 : i32
    %mul3A_14 = arith.constant 16 : i32
    %mul3A_15 = arith.muli %scan3A_13, %mul3A_14 : i32
    %swap3A = arith.index_cast %mul3A_15 : i32 to index
    %swap3A_16 = tpu.vector_load %arg6[%swap3A] {strides = array<i32>} : memref<3136xf32, #tpu.memory_space<vmem>>, vector<16xf32>,
    tpu.vector_store %arg6[%swap3A], %get3A_3 {strides = array<i32>} : memref<3136xf32, #tpu.memory_space<vmem>>, vector<16xf32>,
    %scan3A_17 = arith.constant 193 : i32
    %scan3A_18 = arith.addi %scan3A_8, %scan3A_17 : i32
    %mul3A_19 = arith.constant 16 : i32
    %mul3A_20 = arith.muli %scan3A_18, %mul3A_19 : i32
    %swap3A_21 = arith.index_cast %mul3A_20 : i32 to index
    %swap3A_22 = tpu.vector_load %arg6[%swap3A_21] {strides = array<i32>} : memref<3136xf32, #tpu.memory_space<vmem>>, vector<16xf32>,
    tpu.vector_store %arg6[%swap3A_21], %get3A_3 {strides = array<i32>} : memref<3136xf32, #tpu.memory_space<vmem>>, vector<16xf32>,
    %scan3A_23 = arith.constant 194 : i32
    %scan3A_24 = arith.addi %scan3A_8, %scan3A_23 : i32
    %mul3A_25 = arith.constant 16 : i32
    %mul3A_26 = arith.muli %scan3A_24, %mul3A_25 : i32
    %swap3A_27 = arith.index_cast %mul3A_26 : i32 to index
    %swap3A_28 = tpu.vector_load %arg6[%swap3A_27] {strides = array<i32>} : memref<3136xf32, #tpu.memory_space<vmem>>, vector<16xf32>,
    tpu.vector_store %arg6[%swap3A_27], %get3A_3 {strides = array<i32>} : memref<3136xf32, #tpu.memory_space<vmem>>, vector<16xf32>,
    %scan3A_29 = arith.constant 195 : i32
    %scan3A_30 = arith.addi %scan3A_8, %scan3A_29 : i32
    %mul3A_31 = arith.constant 16 : i32
    %mul3A_32 = arith.muli %scan3A_30, %mul3A_31 : i32
    %swap3A_33 = arith.index_cast %mul3A_32 : i32 to index
    %swap3A_34 = tpu.vector_load %arg6[%swap3A_33] {strides = array<i32>} : memref<3136xf32, #tpu.memory_space<vmem>>, vector<16xf32>,
    tpu.vector_store %arg6[%swap3A_33], %get3A_3 {strides = array<i32>} : memref<3136xf32, #tpu.memory_space<vmem>>, vector<16xf32>,
    %scan3A_35 = arith.constant 196 : i32
    %scan3A_36 = arith.constant 0 : i32
    %scan3A_37 = arith.constant 0 : i32
    %scan3A_38 = arith.constant 128 : i32
    %scan3A_39 = arith.addi %scan3A_37, %scan3A_38 : i32
    %scan3A_40 = arith.constant 8 : i32
    scf.for %scan3A_48 = %scan3A_37 to %scan3A_39 step %scan3A_40  : i32 {
      %mul3A_49 = arith.constant 16 : i32
      %mul3A_50 = arith.muli %scan3A_48, %mul3A_49 : i32
      %get3A_51 = arith.index_cast %mul3A_50 : i32 to index
      %get3A_52 = tpu.vector_load %arg7[%get3A_51] {strides = array<i32>} : memref<2048xi32, #tpu.memory_space<vmem>>, vector<16xi32>,
      %ge3A = vector.broadcast %mul3A_2 : i32 to vector<16xi32>
      %ge3A_53 = arith.cmpi sge, %get3A_52, %ge3A : vector<16xi32>
      %add3A_54 = arith.constant 3136 : i32
      %add3A_55 = arith.addi %mul3A_2, %add3A_54 : i32
      %lt3A = vector.broadcast %add3A_55 : i32 to vector<16xi32>
      %lt3A_56 = arith.cmpi slt, %get3A_52, %lt3A : vector<16xi32>
      %and3A = arith.andi %ge3A_53, %lt3A_56 : vector<16xi1>
      %sub3A = vector.broadcast %mul3A_2 : i32 to vector<16xi32>
      %sub3A_57 = arith.subi %get3A_52, %sub3A : vector<16xi32>
      %jit3A = arith.constant 0 : i32
      %broadcast_in_dim3A = vector.broadcast %jit3A : i32 to vector<16xi32>
      %select_n3A = arith.select %and3A, %sub3A_57, %broadcast_in_dim3A : vector<16xi1>, vector<16xi32>
      tpu.vector_store_idx %arg6[%select_n3A], %get3A_5 masked %and3A : memref<3136xf32, #tpu.memory_space<vmem>>[vector<16xi32>], vector<16xf32>, vector<16xi1>
      %scan3A_58 = arith.constant 1 : i32
      %scan3A_59 = arith.addi %scan3A_48, %scan3A_58 : i32
      %mul3A_60 = arith.constant 16 : i32
      %mul3A_61 = arith.muli %scan3A_59, %mul3A_60 : i32
      %get3A_62 = arith.index_cast %mul3A_61 : i32 to index
      %get3A_63 = tpu.vector_load %arg7[%get3A_62] {strides = array<i32>} : memref<2048xi32, #tpu.memory_space<vmem>>, vector<16xi32>,
      %ge3A_64 = vector.broadcast %mul3A_2 : i32 to vector<16xi32>
      %ge3A_65 = arith.cmpi sge, %get3A_63, %ge3A_64 : vector<16xi32>
      %add3A_66 = arith.constant 3136 : i32
      %add3A_67 = arith.addi %mul3A_2, %add3A_66 : i32
      %lt3A_68 = vector.broadcast %add3A_67 : i32 to vector<16xi32>
      %lt3A_69 = arith.cmpi slt, %get3A_63, %lt3A_68 : vector<16xi32>
      %and3A_70 = arith.andi %ge3A_65, %lt3A_69 : vector<16xi1>
      %sub3A_71 = vector.broadcast %mul3A_2 : i32 to vector<16xi32>
      %sub3A_72 = arith.subi %get3A_63, %sub3A_71 : vector<16xi32>
      %jit3A_73 = arith.constant 0 : i32
      %broadcast_in_dim3A_74 = vector.broadcast %jit3A_73 : i32 to vector<16xi32>
      %select_n3A_75 = arith.select %and3A_70, %sub3A_72, %broadcast_in_dim3A_74 : vector<16xi1>, vector<16xi32>
      tpu.vector_store_idx %arg6[%select_n3A_75], %get3A_5 masked %and3A_70 : memref<3136xf32, #tpu.memory_space<vmem>>[vector<16xi32>], vector<16xf32>, vector<16xi1>
      %scan3A_76 = arith.constant 2 : i32
      %scan3A_77 = arith.addi %scan3A_48, %scan3A_76 : i32
      %mul3A_78 = arith.constant 16 : i32
      %mul3A_79 = arith.muli %scan3A_77, %mul3A_78 : i32
      %get3A_80 = arith.index_cast %mul3A_79 : i32 to index
      %get3A_81 = tpu.vector_load %arg7[%get3A_80] {strides = array<i32>} : memref<2048xi32, #tpu.memory_space<vmem>>, vector<16xi32>,
      %ge3A_82 = vector.broadcast %mul3A_2 : i32 to vector<16xi32>
      %ge3A_83 = arith.cmpi sge, %get3A_81, %ge3A_82 : vector<16xi32>
      %add3A_84 = arith.constant 3136 : i32
      %add3A_85 = arith.addi %mul3A_2, %add3A_84 : i32
      %lt3A_86 = vector.broadcast %add3A_85 : i32 to vector<16xi32>
      %lt3A_87 = arith.cmpi slt, %get3A_81, %lt3A_86 : vector<16xi32>
      %and3A_88 = arith.andi %ge3A_83, %lt3A_87 : vector<16xi1>
      %sub3A_89 = vector.broadcast %mul3A_2 : i32 to vector<16xi32>
      %sub3A_90 = arith.subi %get3A_81, %sub3A_89 : vector<16xi32>
      %jit3A_91 = arith.constant 0 : i32
      %broadcast_in_dim3A_92 = vector.broadcast %jit3A_91 : i32 to vector<16xi32>
      %select_n3A_93 = arith.select %and3A_88, %sub3A_90, %broadcast_in_dim3A_92 : vector<16xi1>, vector<16xi32>
      tpu.vector_store_idx %arg6[%select_n3A_93], %get3A_5 masked %and3A_88 : memref<3136xf32, #tpu.memory_space<vmem>>[vector<16xi32>], vector<16xf32>, vector<16xi1>
      %scan3A_94 = arith.constant 3 : i32
      %scan3A_95 = arith.addi %scan3A_48, %scan3A_94 : i32
      %mul3A_96 = arith.constant 16 : i32
      %mul3A_97 = arith.muli %scan3A_95, %mul3A_96 : i32
      %get3A_98 = arith.index_cast %mul3A_97 : i32 to index
      %get3A_99 = tpu.vector_load %arg7[%get3A_98] {strides = array<i32>} : memref<2048xi32, #tpu.memory_space<vmem>>, vector<16xi32>,
      %ge3A_100 = vector.broadcast %mul3A_2 : i32 to vector<16xi32>
      %ge3A_101 = arith.cmpi sge, %get3A_99, %ge3A_100 : vector<16xi32>
      %add3A_102 = arith.constant 3136 : i32
      %add3A_103 = arith.addi %mul3A_2, %add3A_102 : i32
      %lt3A_104 = vector.broadcast %add3A_103 : i32 to vector<16xi32>
      %lt3A_105 = arith.cmpi slt, %get3A_99, %lt3A_104 : vector<16xi32>
      %and3A_106 = arith.andi %ge3A_101, %lt3A_105 : vector<16xi1>
      %sub3A_107 = vector.broadcast %mul3A_2 : i32 to vector<16xi32>
      %sub3A_108 = arith.subi %get3A_99, %sub3A_107 : vector<16xi32>
      %jit3A_109 = arith.constant 0 : i32
      %broadcast_in_dim3A_110 = vector.broadcast %jit3A_109 : i32 to vector<16xi32>
      %select_n3A_111 = arith.select %and3A_106, %sub3A_108, %broadcast_in_dim3A_110 : vector<16xi1>, vector<16xi32>
      tpu.vector_store_idx %arg6[%select_n3A_111], %get3A_5 masked %and3A_106 : memref<3136xf32, #tpu.memory_space<vmem>>[vector<16xi32>], vector<16xf32>, vector<16xi1>
      %scan3A_112 = arith.constant 4 : i32
      %scan3A_113 = arith.addi %scan3A_48, %scan3A_112 : i32
      %mul3A_114 = arith.constant 16 : i32
      %mul3A_115 = arith.muli %scan3A_113, %mul3A_114 : i32
      %get3A_116 = arith.index_cast %mul3A_115 : i32 to index
      %get3A_117 = tpu.vector_load %arg7[%get3A_116] {strides = array<i32>} : memref<2048xi32, #tpu.memory_space<vmem>>, vector<16xi32>,
      %ge3A_118 = vector.broadcast %mul3A_2 : i32 to vector<16xi32>
      %ge3A_119 = arith.cmpi sge, %get3A_117, %ge3A_118 : vector<16xi32>
      %add3A_120 = arith.constant 3136 : i32
      %add3A_121 = arith.addi %mul3A_2, %add3A_120 : i32
      %lt3A_122 = vector.broadcast %add3A_121 : i32 to vector<16xi32>
      %lt3A_123 = arith.cmpi slt, %get3A_117, %lt3A_122 : vector<16xi32>
      %and3A_124 = arith.andi %ge3A_119, %lt3A_123 : vector<16xi1>
      %sub3A_125 = vector.broadcast %mul3A_2 : i32 to vector<16xi32>
      %sub3A_126 = arith.subi %get3A_117, %sub3A_125 : vector<16xi32>
      %jit3A_127 = arith.constant 0 : i32
      %broadcast_in_dim3A_128 = vector.broadcast %jit3A_127 : i32 to vector<16xi32>
      %select_n3A_129 = arith.select %and3A_124, %sub3A_126, %broadcast_in_dim3A_128 : vector<16xi1>, vector<16xi32>
      tpu.vector_store_idx %arg6[%select_n3A_129], %get3A_5 masked %and3A_124 : memref<3136xf32, #tpu.memory_space<vmem>>[vector<16xi32>], vector<16xf32>, vector<16xi1>
      %scan3A_130 = arith.constant 5 : i32
      %scan3A_131 = arith.addi %scan3A_48, %scan3A_130 : i32
      %mul3A_132 = arith.constant 16 : i32
      %mul3A_133 = arith.muli %scan3A_131, %mul3A_132 : i32
      %get3A_134 = arith.index_cast %mul3A_133 : i32 to index
      %get3A_135 = tpu.vector_load %arg7[%get3A_134] {strides = array<i32>} : memref<2048xi32, #tpu.memory_space<vmem>>, vector<16xi32>,
      %ge3A_136 = vector.broadcast %mul3A_2 : i32 to vector<16xi32>
      %ge3A_137 = arith.cmpi sge, %get3A_135, %ge3A_136 : vector<16xi32>
      %add3A_138 = arith.constant 3136 : i32
      %add3A_139 = arith.addi %mul3A_2, %add3A_138 : i32
      %lt3A_140 = vector.broadcast %add3A_139 : i32 to vector<16xi32>
      %lt3A_141 = arith.cmpi slt, %get3A_135, %lt3A_140 : vector<16xi32>
      %and3A_142 = arith.andi %ge3A_137, %lt3A_141 : vector<16xi1>
      %sub3A_143 = vector.broadcast %mul3A_2 : i32 to vector<16xi32>
      %sub3A_144 = arith.subi %get3A_135, %sub3A_143 : vector<16xi32>
      %jit3A_145 = arith.constant 0 : i32
      %broadcast_in_dim3A_146 = vector.broadcast %jit3A_145 : i32 to vector<16xi32>
      %select_n3A_147 = arith.select %and3A_142, %sub3A_144, %broadcast_in_dim3A_146 : vector<16xi1>, vector<16xi32>
      tpu.vector_store_idx %arg6[%select_n3A_147], %get3A_5 masked %and3A_142 : memref<3136xf32, #tpu.memory_space<vmem>>[vector<16xi32>], vector<16xf32>, vector<16xi1>
      %scan3A_148 = arith.constant 6 : i32
      %scan3A_149 = arith.addi %scan3A_48, %scan3A_148 : i32
      %mul3A_150 = arith.constant 16 : i32
      %mul3A_151 = arith.muli %scan3A_149, %mul3A_150 : i32
      %get3A_152 = arith.index_cast %mul3A_151 : i32 to index
      %get3A_153 = tpu.vector_load %arg7[%get3A_152] {strides = array<i32>} : memref<2048xi32, #tpu.memory_space<vmem>>, vector<16xi32>,
      %ge3A_154 = vector.broadcast %mul3A_2 : i32 to vector<16xi32>
      %ge3A_155 = arith.cmpi sge, %get3A_153, %ge3A_154 : vector<16xi32>
      %add3A_156 = arith.constant 3136 : i32
      %add3A_157 = arith.addi %mul3A_2, %add3A_156 : i32
      %lt3A_158 = vector.broadcast %add3A_157 : i32 to vector<16xi32>
      %lt3A_159 = arith.cmpi slt, %get3A_153, %lt3A_158 : vector<16xi32>
      %and3A_160 = arith.andi %ge3A_155, %lt3A_159 : vector<16xi1>
      %sub3A_161 = vector.broadcast %mul3A_2 : i32 to vector<16xi32>
      %sub3A_162 = arith.subi %get3A_153, %sub3A_161 : vector<16xi32>
      %jit3A_163 = arith.constant 0 : i32
      %broadcast_in_dim3A_164 = vector.broadcast %jit3A_163 : i32 to vector<16xi32>
      %select_n3A_165 = arith.select %and3A_160, %sub3A_162, %broadcast_in_dim3A_164 : vector<16xi1>, vector<16xi32>
      tpu.vector_store_idx %arg6[%select_n3A_165], %get3A_5 masked %and3A_160 : memref<3136xf32, #tpu.memory_space<vmem>>[vector<16xi32>], vector<16xf32>, vector<16xi1>
      %scan3A_166 = arith.constant 7 : i32
      %scan3A_167 = arith.addi %scan3A_48, %scan3A_166 : i32
      %mul3A_168 = arith.constant 16 : i32
      %mul3A_169 = arith.muli %scan3A_167, %mul3A_168 : i32
      %get3A_170 = arith.index_cast %mul3A_169 : i32 to index
      %get3A_171 = tpu.vector_load %arg7[%get3A_170] {strides = array<i32>} : memref<2048xi32, #tpu.memory_space<vmem>>, vector<16xi32>,
      %ge3A_172 = vector.broadcast %mul3A_2 : i32 to vector<16xi32>
      %ge3A_173 = arith.cmpi sge, %get3A_171, %ge3A_172 : vector<16xi32>
      %add3A_174 = arith.constant 3136 : i32
      %add3A_175 = arith.addi %mul3A_2, %add3A_174 : i32
      %lt3A_176 = vector.broadcast %add3A_175 : i32 to vector<16xi32>
      %lt3A_177 = arith.cmpi slt, %get3A_171, %lt3A_176 : vector<16xi32>
      %and3A_178 = arith.andi %ge3A_173, %lt3A_177 : vector<16xi1>
      %sub3A_179 = vector.broadcast %mul3A_2 : i32 to vector<16xi32>
      %sub3A_180 = arith.subi %get3A_171, %sub3A_179 : vector<16xi32>
      %jit3A_181 = arith.constant 0 : i32
      %broadcast_in_dim3A_182 = vector.broadcast %jit3A_181 : i32 to vector<16xi32>
      %select_n3A_183 = arith.select %and3A_178, %sub3A_180, %broadcast_in_dim3A_182 : vector<16xi1>, vector<16xi32>
      tpu.vector_store_idx %arg6[%select_n3A_183], %get3A_5 masked %and3A_178 : memref<3136xf32, #tpu.memory_space<vmem>>[vector<16xi32>], vector<16xf32>, vector<16xi1>
    }
    %scan3A_41 = arith.constant 128 : i32
    %scan3A_42 = arith.constant 0 : i32
    %scan3A_43 = arith.constant 0 : i32
    %scan3A_44 = arith.constant 128 : i32
    %scan3A_45 = arith.addi %scan3A_43, %scan3A_44 : i32
    %scan3A_46 = arith.constant 8 : i32
    scf.for %scan3A_48 = %scan3A_43 to %scan3A_45 step %scan3A_46  : i32 {
      %mul3A_49 = arith.constant 16 : i32
      %mul3A_50 = arith.muli %scan3A_48, %mul3A_49 : i32
      %get3A_51 = arith.index_cast %mul3A_50 : i32 to index
      %get3A_52 = tpu.vector_load %arg8[%get3A_51] {strides = array<i32>} : memref<2048xi32, #tpu.memory_space<vmem>>, vector<16xi32>,
      %ge3A = vector.broadcast %mul3A_2 : i32 to vector<16xi32>
      %ge3A_53 = arith.cmpi sge, %get3A_52, %ge3A : vector<16xi32>
      %add3A_54 = arith.constant 3136 : i32
      %add3A_55 = arith.addi %mul3A_2, %add3A_54 : i32
      %lt3A = vector.broadcast %add3A_55 : i32 to vector<16xi32>
      %lt3A_56 = arith.cmpi slt, %get3A_52, %lt3A : vector<16xi32>
      %and3A = arith.andi %ge3A_53, %lt3A_56 : vector<16xi1>
      %sub3A = vector.broadcast %mul3A_2 : i32 to vector<16xi32>
      %sub3A_57 = arith.subi %get3A_52, %sub3A : vector<16xi32>
      %jit3A = arith.constant 0 : i32
      %broadcast_in_dim3A = vector.broadcast %jit3A : i32 to vector<16xi32>
      %select_n3A = arith.select %and3A, %sub3A_57, %broadcast_in_dim3A : vector<16xi1>, vector<16xi32>
      %gather3A = tpu.vector_load_idx %arg6[%select_n3A] masked %and3A : memref<3136xf32, #tpu.memory_space<vmem>>[vector<16xi32>], vector<16xf32>, vector<16xi1>
      %mul3A_58 = arith.mulf %gather3A, %get3A_7 : vector<16xf32>
      tpu.vector_store_idx %arg6[%select_n3A], %mul3A_58 masked %and3A : memref<3136xf32, #tpu.memory_space<vmem>>[vector<16xi32>], vector<16xf32>, vector<16xi1>
      %scan3A_59 = arith.constant 1 : i32
      %scan3A_60 = arith.addi %scan3A_48, %scan3A_59 : i32
      %mul3A_61 = arith.constant 16 : i32
      %mul3A_62 = arith.muli %scan3A_60, %mul3A_61 : i32
      %get3A_63 = arith.index_cast %mul3A_62 : i32 to index
      %get3A_64 = tpu.vector_load %arg8[%get3A_63] {strides = array<i32>} : memref<2048xi32, #tpu.memory_space<vmem>>, vector<16xi32>,
      %ge3A_65 = vector.broadcast %mul3A_2 : i32 to vector<16xi32>
      %ge3A_66 = arith.cmpi sge, %get3A_64, %ge3A_65 : vector<16xi32>
      %add3A_67 = arith.constant 3136 : i32
      %add3A_68 = arith.addi %mul3A_2, %add3A_67 : i32
      %lt3A_69 = vector.broadcast %add3A_68 : i32 to vector<16xi32>
      %lt3A_70 = arith.cmpi slt, %get3A_64, %lt3A_69 : vector<16xi32>
      %and3A_71 = arith.andi %ge3A_66, %lt3A_70 : vector<16xi1>
      %sub3A_72 = vector.broadcast %mul3A_2 : i32 to vector<16xi32>
      %sub3A_73 = arith.subi %get3A_64, %sub3A_72 : vector<16xi32>
      %jit3A_74 = arith.constant 0 : i32
      %broadcast_in_dim3A_75 = vector.broadcast %jit3A_74 : i32 to vector<16xi32>
      %select_n3A_76 = arith.select %and3A_71, %sub3A_73, %broadcast_in_dim3A_75 : vector<16xi1>, vector<16xi32>
      %gather3A_77 = tpu.vector_load_idx %arg6[%select_n3A_76] masked %and3A_71 : memref<3136xf32, #tpu.memory_space<vmem>>[vector<16xi32>], vector<16xf32>, vector<16xi1>
      %mul3A_78 = arith.mulf %gather3A_77, %get3A_7 : vector<16xf32>
      tpu.vector_store_idx %arg6[%select_n3A_76], %mul3A_78 masked %and3A_71 : memref<3136xf32, #tpu.memory_space<vmem>>[vector<16xi32>], vector<16xf32>, vector<16xi1>
      %scan3A_79 = arith.constant 2 : i32
      %scan3A_80 = arith.addi %scan3A_48, %scan3A_79 : i32
      %mul3A_81 = arith.constant 16 : i32
      %mul3A_82 = arith.muli %scan3A_80, %mul3A_81 : i32
      %get3A_83 = arith.index_cast %mul3A_82 : i32 to index
      %get3A_84 = tpu.vector_load %arg8[%get3A_83] {strides = array<i32>} : memref<2048xi32, #tpu.memory_space<vmem>>, vector<16xi32>,
      %ge3A_85 = vector.broadcast %mul3A_2 : i32 to vector<16xi32>
      %ge3A_86 = arith.cmpi sge, %get3A_84, %ge3A_85 : vector<16xi32>
      %add3A_87 = arith.constant 3136 : i32
      %add3A_88 = arith.addi %mul3A_2, %add3A_87 : i32
      %lt3A_89 = vector.broadcast %add3A_88 : i32 to vector<16xi32>
      %lt3A_90 = arith.cmpi slt, %get3A_84, %lt3A_89 : vector<16xi32>
      %and3A_91 = arith.andi %ge3A_86, %lt3A_90 : vector<16xi1>
      %sub3A_92 = vector.broadcast %mul3A_2 : i32 to vector<16xi32>
      %sub3A_93 = arith.subi %get3A_84, %sub3A_92 : vector<16xi32>
      %jit3A_94 = arith.constant 0 : i32
      %broadcast_in_dim3A_95 = vector.broadcast %jit3A_94 : i32 to vector<16xi32>
      %select_n3A_96 = arith.select %and3A_91, %sub3A_93, %broadcast_in_dim3A_95 : vector<16xi1>, vector<16xi32>
      %gather3A_97 = tpu.vector_load_idx %arg6[%select_n3A_96] masked %and3A_91 : memref<3136xf32, #tpu.memory_space<vmem>>[vector<16xi32>], vector<16xf32>, vector<16xi1>
      %mul3A_98 = arith.mulf %gather3A_97, %get3A_7 : vector<16xf32>
      tpu.vector_store_idx %arg6[%select_n3A_96], %mul3A_98 masked %and3A_91 : memref<3136xf32, #tpu.memory_space<vmem>>[vector<16xi32>], vector<16xf32>, vector<16xi1>
      %scan3A_99 = arith.constant 3 : i32
      %scan3A_100 = arith.addi %scan3A_48, %scan3A_99 : i32
      %mul3A_101 = arith.constant 16 : i32
      %mul3A_102 = arith.muli %scan3A_100, %mul3A_101 : i32
      %get3A_103 = arith.index_cast %mul3A_102 : i32 to index
      %get3A_104 = tpu.vector_load %arg8[%get3A_103] {strides = array<i32>} : memref<2048xi32, #tpu.memory_space<vmem>>, vector<16xi32>,
      %ge3A_105 = vector.broadcast %mul3A_2 : i32 to vector<16xi32>
      %ge3A_106 = arith.cmpi sge, %get3A_104, %ge3A_105 : vector<16xi32>
      %add3A_107 = arith.constant 3136 : i32
      %add3A_108 = arith.addi %mul3A_2, %add3A_107 : i32
      %lt3A_109 = vector.broadcast %add3A_108 : i32 to vector<16xi32>
      %lt3A_110 = arith.cmpi slt, %get3A_104, %lt3A_109 : vector<16xi32>
      %and3A_111 = arith.andi %ge3A_106, %lt3A_110 : vector<16xi1>
      %sub3A_112 = vector.broadcast %mul3A_2 : i32 to vector<16xi32>
      %sub3A_113 = arith.subi %get3A_104, %sub3A_112 : vector<16xi32>
      %jit3A_114 = arith.constant 0 : i32
      %broadcast_in_dim3A_115 = vector.broadcast %jit3A_114 : i32 to vector<16xi32>
      %select_n3A_116 = arith.select %and3A_111, %sub3A_113, %broadcast_in_dim3A_115 : vector<16xi1>, vector<16xi32>
      %gather3A_117 = tpu.vector_load_idx %arg6[%select_n3A_116] masked %and3A_111 : memref<3136xf32, #tpu.memory_space<vmem>>[vector<16xi32>], vector<16xf32>, vector<16xi1>
      %mul3A_118 = arith.mulf %gather3A_117, %get3A_7 : vector<16xf32>
      tpu.vector_store_idx %arg6[%select_n3A_116], %mul3A_118 masked %and3A_111 : memref<3136xf32, #tpu.memory_space<vmem>>[vector<16xi32>], vector<16xf32>, vector<16xi1>
      %scan3A_119 = arith.constant 4 : i32
      %scan3A_120 = arith.addi %scan3A_48, %scan3A_119 : i32
      %mul3A_121 = arith.constant 16 : i32
      %mul3A_122 = arith.muli %scan3A_120, %mul3A_121 : i32
      %get3A_123 = arith.index_cast %mul3A_122 : i32 to index
      %get3A_124 = tpu.vector_load %arg8[%get3A_123] {strides = array<i32>} : memref<2048xi32, #tpu.memory_space<vmem>>, vector<16xi32>,
      %ge3A_125 = vector.broadcast %mul3A_2 : i32 to vector<16xi32>
      %ge3A_126 = arith.cmpi sge, %get3A_124, %ge3A_125 : vector<16xi32>
      %add3A_127 = arith.constant 3136 : i32
      %add3A_128 = arith.addi %mul3A_2, %add3A_127 : i32
      %lt3A_129 = vector.broadcast %add3A_128 : i32 to vector<16xi32>
      %lt3A_130 = arith.cmpi slt, %get3A_124, %lt3A_129 : vector<16xi32>
      %and3A_131 = arith.andi %ge3A_126, %lt3A_130 : vector<16xi1>
      %sub3A_132 = vector.broadcast %mul3A_2 : i32 to vector<16xi32>
      %sub3A_133 = arith.subi %get3A_124, %sub3A_132 : vector<16xi32>
      %jit3A_134 = arith.constant 0 : i32
      %broadcast_in_dim3A_135 = vector.broadcast %jit3A_134 : i32 to vector<16xi32>
      %select_n3A_136 = arith.select %and3A_131, %sub3A_133, %broadcast_in_dim3A_135 : vector<16xi1>, vector<16xi32>
      %gather3A_137 = tpu.vector_load_idx %arg6[%select_n3A_136] masked %and3A_131 : memref<3136xf32, #tpu.memory_space<vmem>>[vector<16xi32>], vector<16xf32>, vector<16xi1>
      %mul3A_138 = arith.mulf %gather3A_137, %get3A_7 : vector<16xf32>
      tpu.vector_store_idx %arg6[%select_n3A_136], %mul3A_138 masked %and3A_131 : memref<3136xf32, #tpu.memory_space<vmem>>[vector<16xi32>], vector<16xf32>, vector<16xi1>
      %scan3A_139 = arith.constant 5 : i32
      %scan3A_140 = arith.addi %scan3A_48, %scan3A_139 : i32
      %mul3A_141 = arith.constant 16 : i32
      %mul3A_142 = arith.muli %scan3A_140, %mul3A_141 : i32
      %get3A_143 = arith.index_cast %mul3A_142 : i32 to index
      %get3A_144 = tpu.vector_load %arg8[%get3A_143] {strides = array<i32>} : memref<2048xi32, #tpu.memory_space<vmem>>, vector<16xi32>,
      %ge3A_145 = vector.broadcast %mul3A_2 : i32 to vector<16xi32>
      %ge3A_146 = arith.cmpi sge, %get3A_144, %ge3A_145 : vector<16xi32>
      %add3A_147 = arith.constant 3136 : i32
      %add3A_148 = arith.addi %mul3A_2, %add3A_147 : i32
      %lt3A_149 = vector.broadcast %add3A_148 : i32 to vector<16xi32>
      %lt3A_150 = arith.cmpi slt, %get3A_144, %lt3A_149 : vector<16xi32>
      %and3A_151 = arith.andi %ge3A_146, %lt3A_150 : vector<16xi1>
      %sub3A_152 = vector.broadcast %mul3A_2 : i32 to vector<16xi32>
      %sub3A_153 = arith.subi %get3A_144, %sub3A_152 : vector<16xi32>
      %jit3A_154 = arith.constant 0 : i32
      %broadcast_in_dim3A_155 = vector.broadcast %jit3A_154 : i32 to vector<16xi32>
      %select_n3A_156 = arith.select %and3A_151, %sub3A_153, %broadcast_in_dim3A_155 : vector<16xi1>, vector<16xi32>
      %gather3A_157 = tpu.vector_load_idx %arg6[%select_n3A_156] masked %and3A_151 : memref<3136xf32, #tpu.memory_space<vmem>>[vector<16xi32>], vector<16xf32>, vector<16xi1>
      %mul3A_158 = arith.mulf %gather3A_157, %get3A_7 : vector<16xf32>
      tpu.vector_store_idx %arg6[%select_n3A_156], %mul3A_158 masked %and3A_151 : memref<3136xf32, #tpu.memory_space<vmem>>[vector<16xi32>], vector<16xf32>, vector<16xi1>
      %scan3A_159 = arith.constant 6 : i32
      %scan3A_160 = arith.addi %scan3A_48, %scan3A_159 : i32
      %mul3A_161 = arith.constant 16 : i32
      %mul3A_162 = arith.muli %scan3A_160, %mul3A_161 : i32
      %get3A_163 = arith.index_cast %mul3A_162 : i32 to index
      %get3A_164 = tpu.vector_load %arg8[%get3A_163] {strides = array<i32>} : memref<2048xi32, #tpu.memory_space<vmem>>, vector<16xi32>,
      %ge3A_165 = vector.broadcast %mul3A_2 : i32 to vector<16xi32>
      %ge3A_166 = arith.cmpi sge, %get3A_164, %ge3A_165 : vector<16xi32>
      %add3A_167 = arith.constant 3136 : i32
      %add3A_168 = arith.addi %mul3A_2, %add3A_167 : i32
      %lt3A_169 = vector.broadcast %add3A_168 : i32 to vector<16xi32>
      %lt3A_170 = arith.cmpi slt, %get3A_164, %lt3A_169 : vector<16xi32>
      %and3A_171 = arith.andi %ge3A_166, %lt3A_170 : vector<16xi1>
      %sub3A_172 = vector.broadcast %mul3A_2 : i32 to vector<16xi32>
      %sub3A_173 = arith.subi %get3A_164, %sub3A_172 : vector<16xi32>
      %jit3A_174 = arith.constant 0 : i32
      %broadcast_in_dim3A_175 = vector.broadcast %jit3A_174 : i32 to vector<16xi32>
      %select_n3A_176 = arith.select %and3A_171, %sub3A_173, %broadcast_in_dim3A_175 : vector<16xi1>, vector<16xi32>
      %gather3A_177 = tpu.vector_load_idx %arg6[%select_n3A_176] masked %and3A_171 : memref<3136xf32, #tpu.memory_space<vmem>>[vector<16xi32>], vector<16xf32>, vector<16xi1>
      %mul3A_178 = arith.mulf %gather3A_177, %get3A_7 : vector<16xf32>
      tpu.vector_store_idx %arg6[%select_n3A_176], %mul3A_178 masked %and3A_171 : memref<3136xf32, #tpu.memory_space<vmem>>[vector<16xi32>], vector<16xf32>, vector<16xi1>
      %scan3A_179 = arith.constant 7 : i32
      %scan3A_180 = arith.addi %scan3A_48, %scan3A_179 : i32
      %mul3A_181 = arith.constant 16 : i32
      %mul3A_182 = arith.muli %scan3A_180, %mul3A_181 : i32
      %get3A_183 = arith.index_cast %mul3A_182 : i32 to index
      %get3A_184 = tpu.vector_load %arg8[%get3A_183] {strides = array<i32>} : memref<2048xi32, #tpu.memory_space<vmem>>, vector<16xi32>,
      %ge3A_185 = vector.broadcast %mul3A_2 : i32 to vector<16xi32>
      %ge3A_186 = arith.cmpi sge, %get3A_184, %ge3A_185 : vector<16xi32>
      %add3A_187 = arith.constant 3136 : i32
      %add3A_188 = arith.addi %mul3A_2, %add3A_187 : i32
      %lt3A_189 = vector.broadcast %add3A_188 : i32 to vector<16xi32>
      %lt3A_190 = arith.cmpi slt, %get3A_184, %lt3A_189 : vector<16xi32>
      %and3A_191 = arith.andi %ge3A_186, %lt3A_190 : vector<16xi1>
      %sub3A_192 = vector.broadcast %mul3A_2 : i32 to vector<16xi32>
      %sub3A_193 = arith.subi %get3A_184, %sub3A_192 : vector<16xi32>
      %jit3A_194 = arith.constant 0 : i32
      %broadcast_in_dim3A_195 = vector.broadcast %jit3A_194 : i32 to vector<16xi32>
      %select_n3A_196 = arith.select %and3A_191, %sub3A_193, %broadcast_in_dim3A_195 : vector<16xi1>, vector<16xi32>
      %gather3A_197 = tpu.vector_load_idx %arg6[%select_n3A_196] masked %and3A_191 : memref<3136xf32, #tpu.memory_space<vmem>>[vector<16xi32>], vector<16xf32>, vector<16xi1>
      %mul3A_198 = arith.mulf %gather3A_197, %get3A_7 : vector<16xf32>
      tpu.vector_store_idx %arg6[%select_n3A_196], %mul3A_198 masked %and3A_191 : memref<3136xf32, #tpu.memory_space<vmem>>[vector<16xi32>], vector<16xf32>, vector<16xi1>
    }
    %scan3A_47 = arith.constant 128 : i32
    "tpu.region"() ({
      %run_scoped3A = tpu.sem_alloc : memref<!tpu.dma_semaphore, #tpu.memory_space<semaphore_mem>>
      %dma_start3A = tpu.memref_slice %arg5[%mul3A_2] : memref<100352xf32, #tpu.memory_space<hbm>> -> memref<3136xf32, #tpu.memory_space<hbm>>
      %dma_start3A_48 = tpu.memref_slice %arg5[%mul3A_2] : memref<100352xf32, #tpu.memory_space<hbm>> -> memref<3136xf32, #tpu.memory_space<hbm>>
      tpu.enqueue_dma source(%arg6 : memref<3136xf32, #tpu.memory_space<vmem>>) target(%dma_start3A_48 : memref<3136xf32, #tpu.memory_space<hbm>>) target_semaphore(%run_scoped3A : memref<!tpu.dma_semaphore, #tpu.memory_space<semaphore_mem>>)
      %dma_wait3A = tpu.memref_slice %arg5[%mul3A_2] : memref<100352xf32, #tpu.memory_space<hbm>> -> memref<3136xf32, #tpu.memory_space<hbm>>
      %dma_wait3A_49 = tpu.memref_slice %arg5[%mul3A_2] : memref<100352xf32, #tpu.memory_space<hbm>> -> memref<3136xf32, #tpu.memory_space<hbm>>
      tpu.wait_dma2 semaphore(%run_scoped3A : memref<!tpu.dma_semaphore, #tpu.memory_space<semaphore_mem>>) src(%arg6 : memref<3136xf32, #tpu.memory_space<vmem>>) dst(%dma_wait3A_49 : memref<3136xf32, #tpu.memory_space<hbm>>)
      tpu.yield
    }) : () -> ()
    return
  }
}

#map = affine_map<(d0, d1) -> (0)>
module attributes {stable_mosaic.version = 14 : i64} {
  func.func @_sc_gather_body(%arg0: i32, %arg1: i32, %arg2: memref<102400000xf32, #tpu.memory_space<hbm>>, %arg3: memref<100352xf32, #tpu.memory_space<hbm>>, %arg4: memref<1024xi32, #tpu.memory_space<hbm>>, %arg5: memref<1024xf32, #tpu.memory_space<hbm>>, %arg6: memref<32xi32, #tpu.memory_space<vmem>>, %arg7: memref<32xi32, #tpu.memory_space<vmem>>, %arg8: memref<32xf32, #tpu.memory_space<vmem>>, %arg9: memref<32xf32, #tpu.memory_space<vmem>>, %arg10: memref<32xf32, #tpu.memory_space<vmem>>, %arg11: memref<!tpu.dma_semaphore, #tpu.memory_space<semaphore_mem>>) attributes {dimension_semantics = [#tpu.dimension_semantics<core_parallel>, #tpu.dimension_semantics<subcore_parallel>], iteration_bounds = array<i64: 2, 16>, scalar_prefetch = 0 : i64, scratch_operands = 6 : i64, tpu.core_type = #tpu.core_type<sc_vector_subcore>, window_params = [{transform_indices = #map}, {transform_indices = #map}, {transform_indices = #map}, {transform_indices = #map}]} {
    %mul3A = arith.constant 2 : i32
    %mul3A_0 = arith.muli %arg1, %mul3A : i32
    %add3A = arith.addi %mul3A_0, %arg0 : i32
    %mul3A_1 = arith.constant 32 : i32
    %mul3A_2 = arith.muli %add3A, %mul3A_1 : i32
    "tpu.region"() ({
      %run_scoped3A = tpu.sem_alloc : memref<!tpu.dma_semaphore, #tpu.memory_space<semaphore_mem>>
      %dma_start3A_113 = tpu.memref_slice %arg4[%mul3A_2] : memref<1024xi32, #tpu.memory_space<hbm>> -> memref<32xi32, #tpu.memory_space<hbm>>
      %dma_start3A_114 = tpu.memref_slice %arg4[%mul3A_2] : memref<1024xi32, #tpu.memory_space<hbm>> -> memref<32xi32, #tpu.memory_space<hbm>>
      tpu.enqueue_dma source(%dma_start3A_114 : memref<32xi32, #tpu.memory_space<hbm>>) target(%arg6 : memref<32xi32, #tpu.memory_space<vmem>>) target_semaphore(%run_scoped3A : memref<!tpu.dma_semaphore, #tpu.memory_space<semaphore_mem>>)
      %dma_wait3A_115 = tpu.memref_slice %arg4[%mul3A_2] : memref<1024xi32, #tpu.memory_space<hbm>> -> memref<32xi32, #tpu.memory_space<hbm>>
      %dma_wait3A_116 = tpu.memref_slice %arg4[%mul3A_2] : memref<1024xi32, #tpu.memory_space<hbm>> -> memref<32xi32, #tpu.memory_space<hbm>>
      tpu.wait_dma2 semaphore(%run_scoped3A : memref<!tpu.dma_semaphore, #tpu.memory_space<semaphore_mem>>) src(%dma_wait3A_116 : memref<32xi32, #tpu.memory_space<hbm>>) dst(%arg6 : memref<32xi32, #tpu.memory_space<vmem>>)
      tpu.yield
    }) : () -> ()
    %scan3A = arith.constant 0 : i32
    %scan3A_3 = arith.constant 0 : i32
    %mul3A_4 = arith.constant 16 : i32
    %mul3A_5 = arith.muli %scan3A_3, %mul3A_4 : i32
    %get3A = arith.index_cast %mul3A_5 : i32 to index
    %get3A_6 = tpu.vector_load %arg6[%get3A] {strides = array<i32>} : memref<32xi32, #tpu.memory_space<vmem>>, vector<16xi32>,
    %mul3A_7 = arith.constant 16 : i32
    %mul3A_8 = arith.muli %scan3A_3, %mul3A_7 : i32
    %add3A_9 = arith.addi %mul3A_2, %mul3A_8 : i32
    %iota3A = tpu.iota {dimensions = array<i32: 0>} : vector<16xi32>
    %add3A_10 = vector.broadcast %add3A_9 : i32 to vector<16xi32>
    %add3A_11 = arith.addi %add3A_10, %iota3A : vector<16xi32>
    %shift_right_arithmetic3A = arith.constant 3 : i32
    %shift_right_arithmetic3A_12 = vector.broadcast %shift_right_arithmetic3A : i32 to vector<16xi32>
    %shift_right_arithmetic3A_13 = arith.shrsi %get3A_6, %shift_right_arithmetic3A_12 : vector<16xi32>
    %mul3A_14 = arith.constant 8192 : i32
    %mul3A_15 = vector.broadcast %mul3A_14 : i32 to vector<16xi32>
    %mul3A_16 = arith.muli %shift_right_arithmetic3A_13, %mul3A_15 : vector<16xi32>
    %shift_right_arithmetic3A_17 = arith.constant 7 : i32
    %shift_right_arithmetic3A_18 = vector.broadcast %shift_right_arithmetic3A_17 : i32 to vector<16xi32>
    %shift_right_arithmetic3A_19 = arith.shrsi %add3A_11, %shift_right_arithmetic3A_18 : vector<16xi32>
    %mul3A_20 = arith.constant 1024 : i32
    %mul3A_21 = vector.broadcast %mul3A_20 : i32 to vector<16xi32>
    %mul3A_22 = arith.muli %shift_right_arithmetic3A_19, %mul3A_21 : vector<16xi32>
    %add3A_23 = arith.addi %mul3A_16, %mul3A_22 : vector<16xi32>
    %and3A = arith.constant 7 : i32
    %and3A_24 = vector.broadcast %and3A : i32 to vector<16xi32>
    %and3A_25 = arith.andi %get3A_6, %and3A_24 : vector<16xi32>
    %mul3A_26 = arith.constant 128 : i32
    %mul3A_27 = vector.broadcast %mul3A_26 : i32 to vector<16xi32>
    %mul3A_28 = arith.muli %and3A_25, %mul3A_27 : vector<16xi32>
    %add3A_29 = arith.addi %add3A_23, %mul3A_28 : vector<16xi32>
    %and3A_30 = arith.constant 127 : i32
    %and3A_31 = vector.broadcast %and3A_30 : i32 to vector<16xi32>
    %and3A_32 = arith.andi %add3A_11, %and3A_31 : vector<16xi32>
    %add3A_33 = arith.addi %add3A_29, %and3A_32 : vector<16xi32>
    %mul3A_34 = arith.constant 16 : i32
    %mul3A_35 = arith.muli %scan3A_3, %mul3A_34 : i32
    %swap3A = arith.index_cast %mul3A_35 : i32 to index
    %swap3A_36 = tpu.vector_load %arg7[%swap3A] {strides = array<i32>} : memref<32xi32, #tpu.memory_space<vmem>>, vector<16xi32>,
    tpu.vector_store %arg7[%swap3A], %add3A_33 {strides = array<i32>} : memref<32xi32, #tpu.memory_space<vmem>>, vector<16xi32>,
    %scan3A_37 = arith.constant 1 : i32
    %mul3A_38 = arith.constant 16 : i32
    %mul3A_39 = arith.muli %scan3A_37, %mul3A_38 : i32
    %get3A_40 = arith.index_cast %mul3A_39 : i32 to index
    %get3A_41 = tpu.vector_load %arg6[%get3A_40] {strides = array<i32>} : memref<32xi32, #tpu.memory_space<vmem>>, vector<16xi32>,
    %mul3A_42 = arith.constant 16 : i32
    %mul3A_43 = arith.muli %scan3A_37, %mul3A_42 : i32
    %add3A_44 = arith.addi %mul3A_2, %mul3A_43 : i32
    %iota3A_45 = tpu.iota {dimensions = array<i32: 0>} : vector<16xi32>
    %add3A_46 = vector.broadcast %add3A_44 : i32 to vector<16xi32>
    %add3A_47 = arith.addi %add3A_46, %iota3A_45 : vector<16xi32>
    %shift_right_arithmetic3A_48 = arith.constant 3 : i32
    %shift_right_arithmetic3A_49 = vector.broadcast %shift_right_arithmetic3A_48 : i32 to vector<16xi32>
    %shift_right_arithmetic3A_50 = arith.shrsi %get3A_41, %shift_right_arithmetic3A_49 : vector<16xi32>
    %mul3A_51 = arith.constant 8192 : i32
    %mul3A_52 = vector.broadcast %mul3A_51 : i32 to vector<16xi32>
    %mul3A_53 = arith.muli %shift_right_arithmetic3A_50, %mul3A_52 : vector<16xi32>
    %shift_right_arithmetic3A_54 = arith.constant 7 : i32
    %shift_right_arithmetic3A_55 = vector.broadcast %shift_right_arithmetic3A_54 : i32 to vector<16xi32>
    %shift_right_arithmetic3A_56 = arith.shrsi %add3A_47, %shift_right_arithmetic3A_55 : vector<16xi32>
    %mul3A_57 = arith.constant 1024 : i32
    %mul3A_58 = vector.broadcast %mul3A_57 : i32 to vector<16xi32>
    %mul3A_59 = arith.muli %shift_right_arithmetic3A_56, %mul3A_58 : vector<16xi32>
    %add3A_60 = arith.addi %mul3A_53, %mul3A_59 : vector<16xi32>
    %and3A_61 = arith.constant 7 : i32
    %and3A_62 = vector.broadcast %and3A_61 : i32 to vector<16xi32>
    %and3A_63 = arith.andi %get3A_41, %and3A_62 : vector<16xi32>
    %mul3A_64 = arith.constant 128 : i32
    %mul3A_65 = vector.broadcast %mul3A_64 : i32 to vector<16xi32>
    %mul3A_66 = arith.muli %and3A_63, %mul3A_65 : vector<16xi32>
    %add3A_67 = arith.addi %add3A_60, %mul3A_66 : vector<16xi32>
    %and3A_68 = arith.constant 127 : i32
    %and3A_69 = vector.broadcast %and3A_68 : i32 to vector<16xi32>
    %and3A_70 = arith.andi %add3A_47, %and3A_69 : vector<16xi32>
    %add3A_71 = arith.addi %add3A_67, %and3A_70 : vector<16xi32>
    %mul3A_72 = arith.constant 16 : i32
    %mul3A_73 = arith.muli %scan3A_37, %mul3A_72 : i32
    %swap3A_74 = arith.index_cast %mul3A_73 : i32 to index
    %swap3A_75 = tpu.vector_load %arg7[%swap3A_74] {strides = array<i32>} : memref<32xi32, #tpu.memory_space<vmem>>, vector<16xi32>,
    tpu.vector_store %arg7[%swap3A_74], %add3A_71 {strides = array<i32>} : memref<32xi32, #tpu.memory_space<vmem>>, vector<16xi32>,
    %scan3A_76 = arith.constant 2 : i32
    %dma_start3A = arith.constant 0 : i32
    %dma_start3A_77 = tpu.memref_slice %arg2[%dma_start3A] : memref<102400000xf32, #tpu.memory_space<hbm>> -> memref<102400000xf32, #tpu.memory_space<hbm>>
    tpu.enqueue_indirect_dma source(%dma_start3A_77 : memref<102400000xf32, #tpu.memory_space<hbm>>) target(%arg8 : memref<32xf32, #tpu.memory_space<vmem>>) offsets(%arg7 : memref<32xi32, #tpu.memory_space<vmem>>) semaphore(%arg11 : memref<!tpu.dma_semaphore, #tpu.memory_space<semaphore_mem>>)
    %dma_wait3A = arith.constant 0 : i32
    %dma_wait3A_78 = tpu.memref_slice %arg2[%dma_wait3A] : memref<102400000xf32, #tpu.memory_space<hbm>> -> memref<102400000xf32, #tpu.memory_space<hbm>>
    tpu.wait_indirect_dma semaphore(%arg11 : memref<!tpu.dma_semaphore, #tpu.memory_space<semaphore_mem>>) src(%dma_wait3A_78 : memref<102400000xf32, #tpu.memory_space<hbm>>) dst(%arg8 : memref<32xf32, #tpu.memory_space<vmem>>)
    %dma_start3A_79 = arith.constant 0 : i32
    %dma_start3A_80 = tpu.memref_slice %arg3[%dma_start3A_79] : memref<100352xf32, #tpu.memory_space<hbm>> -> memref<100352xf32, #tpu.memory_space<hbm>>
    tpu.enqueue_indirect_dma source(%dma_start3A_80 : memref<100352xf32, #tpu.memory_space<hbm>>) target(%arg9 : memref<32xf32, #tpu.memory_space<vmem>>) offsets(%arg6 : memref<32xi32, #tpu.memory_space<vmem>>) semaphore(%arg11 : memref<!tpu.dma_semaphore, #tpu.memory_space<semaphore_mem>>)
    %dma_wait3A_81 = arith.constant 0 : i32
    %dma_wait3A_82 = tpu.memref_slice %arg3[%dma_wait3A_81] : memref<100352xf32, #tpu.memory_space<hbm>> -> memref<100352xf32, #tpu.memory_space<hbm>>
    tpu.wait_indirect_dma semaphore(%arg11 : memref<!tpu.dma_semaphore, #tpu.memory_space<semaphore_mem>>) src(%dma_wait3A_82 : memref<100352xf32, #tpu.memory_space<hbm>>) dst(%arg9 : memref<32xf32, #tpu.memory_space<vmem>>)
    %scan3A_83 = arith.constant 0 : i32
    %scan3A_84 = arith.constant 0 : i32
    %mul3A_85 = arith.constant 16 : i32
    %mul3A_86 = arith.muli %scan3A_84, %mul3A_85 : i32
    %get3A_87 = arith.index_cast %mul3A_86 : i32 to index
    %get3A_88 = tpu.vector_load %arg8[%get3A_87] {strides = array<i32>} : memref<32xf32, #tpu.memory_space<vmem>>, vector<16xf32>,
    %mul3A_89 = arith.constant 16 : i32
    %mul3A_90 = arith.muli %scan3A_84, %mul3A_89 : i32
    %get3A_91 = arith.index_cast %mul3A_90 : i32 to index
    %get3A_92 = tpu.vector_load %arg9[%get3A_91] {strides = array<i32>} : memref<32xf32, #tpu.memory_space<vmem>>, vector<16xf32>,
    %mul3A_93 = arith.mulf %get3A_88, %get3A_92 : vector<16xf32>
    %mul3A_94 = arith.constant 16 : i32
    %mul3A_95 = arith.muli %scan3A_84, %mul3A_94 : i32
    %swap3A_96 = arith.index_cast %mul3A_95 : i32 to index
    %swap3A_97 = tpu.vector_load %arg10[%swap3A_96] {strides = array<i32>} : memref<32xf32, #tpu.memory_space<vmem>>, vector<16xf32>,
    tpu.vector_store %arg10[%swap3A_96], %mul3A_93 {strides = array<i32>} : memref<32xf32, #tpu.memory_space<vmem>>, vector<16xf32>,
    %scan3A_98 = arith.constant 1 : i32
    %mul3A_99 = arith.constant 16 : i32
    %mul3A_100 = arith.muli %scan3A_98, %mul3A_99 : i32
    %get3A_101 = arith.index_cast %mul3A_100 : i32 to index
    %get3A_102 = tpu.vector_load %arg8[%get3A_101] {strides = array<i32>} : memref<32xf32, #tpu.memory_space<vmem>>, vector<16xf32>,
    %mul3A_103 = arith.constant 16 : i32
    %mul3A_104 = arith.muli %scan3A_98, %mul3A_103 : i32
    %get3A_105 = arith.index_cast %mul3A_104 : i32 to index
    %get3A_106 = tpu.vector_load %arg9[%get3A_105] {strides = array<i32>} : memref<32xf32, #tpu.memory_space<vmem>>, vector<16xf32>,
    %mul3A_107 = arith.mulf %get3A_102, %get3A_106 : vector<16xf32>
    %mul3A_108 = arith.constant 16 : i32
    %mul3A_109 = arith.muli %scan3A_98, %mul3A_108 : i32
    %swap3A_110 = arith.index_cast %mul3A_109 : i32 to index
    %swap3A_111 = tpu.vector_load %arg10[%swap3A_110] {strides = array<i32>} : memref<32xf32, #tpu.memory_space<vmem>>, vector<16xf32>,
    tpu.vector_store %arg10[%swap3A_110], %mul3A_107 {strides = array<i32>} : memref<32xf32, #tpu.memory_space<vmem>>, vector<16xf32>,
    %scan3A_112 = arith.constant 2 : i32
    "tpu.region"() ({
      %run_scoped3A = tpu.sem_alloc : memref<!tpu.dma_semaphore, #tpu.memory_space<semaphore_mem>>
      %dma_start3A_113 = tpu.memref_slice %arg5[%mul3A_2] : memref<1024xf32, #tpu.memory_space<hbm>> -> memref<32xf32, #tpu.memory_space<hbm>>
      %dma_start3A_114 = tpu.memref_slice %arg5[%mul3A_2] : memref<1024xf32, #tpu.memory_space<hbm>> -> memref<32xf32, #tpu.memory_space<hbm>>
      tpu.enqueue_dma source(%arg10 : memref<32xf32, #tpu.memory_space<vmem>>) target(%dma_start3A_114 : memref<32xf32, #tpu.memory_space<hbm>>) target_semaphore(%run_scoped3A : memref<!tpu.dma_semaphore, #tpu.memory_space<semaphore_mem>>)
      %dma_wait3A_115 = tpu.memref_slice %arg5[%mul3A_2] : memref<1024xf32, #tpu.memory_space<hbm>> -> memref<32xf32, #tpu.memory_space<hbm>>
      %dma_wait3A_116 = tpu.memref_slice %arg5[%mul3A_2] : memref<1024xf32, #tpu.memory_space<hbm>> -> memref<32xf32, #tpu.memory_space<hbm>>
      tpu.wait_dma2 semaphore(%run_scoped3A : memref<!tpu.dma_semaphore, #tpu.memory_space<semaphore_mem>>) src(%arg10 : memref<32xf32, #tpu.memory_space<vmem>>) dst(%dma_wait3A_116 : memref<32xf32, #tpu.memory_space<hbm>>)
      tpu.yield
    }) : () -> ()
    return
  }
}

module attributes {stable_mosaic.version = 14 : i64} {
  func.func @_tc_body(%arg0: i32, %arg1: memref<250x8x8x128xf32, #tpu.memory_space<vmem>>, %arg2: memref<1x250x8xf32, #tpu.memory_space<vmem>>, %arg3: memref<1x8x1x128xf32, #tpu.memory_space<vmem>>, %arg4: memref<1x8x1x128xf32, #tpu.memory_space<vmem>>, %arg5: memref<1x8x1x128xf32, #tpu.memory_space<vmem>>) attributes {dimension_semantics = [#tpu.dimension_semantics<arbitrary>], iteration_bounds = array<i64: 50>, scalar_prefetch = 0 : i64, scratch_operands = 1 : i64, tpu.core_type = #tpu.core_type<tc>, window_params = [{transform_indices = @transform_0, window_bounds = array<i64: 250, 8, 8, 128>}, {transform_indices = @transform_1, window_bounds = array<i64: 1, 250, 8>}, {pipeline_mode = #tpu.pipeline_mode<synchronous>, transform_indices = @transform_2, window_bounds = array<i64: 1, 8, 1, 128>}, {pipeline_mode = #tpu.pipeline_mode<synchronous>, transform_indices = @transform_3, window_bounds = array<i64: 1, 8, 1, 128>}]} {
    %eq3A = arith.constant 0 : i32
    %eq3A_0 = arith.cmpi eq, %arg0, %eq3A : i32
    %convert_element_type3A = arith.extui %eq3A_0 : i1 to i32
    %cond3A = arith.constant 0 : i32
    %cond3A_1 = arith.cmpi ne, %convert_element_type3A, %cond3A : i32
    scf.if %cond3A_1 {
      %broadcast_in_dim3A_28 = arith.constant 0.000000e+00 : f32
      %broadcast_in_dim3A_29 = vector.broadcast %broadcast_in_dim3A_28 : f32 to vector<1x8x1x128xf32>
      %swap3A_30 = arith.constant 0 : index
      %swap3A_31 = arith.constant 0 : index
      %swap3A_32 = arith.constant 0 : index
      %swap3A_33 = arith.constant 0 : index
      %swap3A_34 = vector.load %arg5[%swap3A_30, %swap3A_31, %swap3A_32, %swap3A_33] : memref<1x8x1x128xf32, #tpu.memory_space<vmem>>, vector<1x8x1x128xf32>
      tpu.vector_store %arg5[%swap3A_30, %swap3A_31, %swap3A_32, %swap3A_33], %broadcast_in_dim3A_29 {strides = array<i32>} : memref<1x8x1x128xf32, #tpu.memory_space<vmem>>, vector<1x8x1x128xf32>,
    } else {
    }
    %get3A = arith.constant 0 : index
    %get3A_2 = arith.constant 0 : index
    %get3A_3 = arith.constant 0 : index
    %get3A_4 = arith.constant 0 : index
    %get3A_5 = vector.load %arg1[%get3A, %get3A_2, %get3A_3, %get3A_4] : memref<250x8x8x128xf32, #tpu.memory_space<vmem>>, vector<250x8x8x128xf32>
    %get3A_6 = arith.constant 0 : index
    %get3A_7 = arith.constant 0 : index
    %get3A_8 = arith.constant 0 : index
    %get3A_9 = vector.load %arg2[%get3A_6, %get3A_7, %get3A_8] : memref<1x250x8xf32, #tpu.memory_space<vmem>>, vector<1x250x8xf32>
    %get3A_10 = vector.shape_cast %get3A_9 : vector<1x250x8xf32> to vector<250x8xf32>
    %broadcast_in_dim3A = vector.shape_cast %get3A_10 : vector<250x8xf32> to vector<250x1x8x1xf32>
    %mul3A = vector.broadcast %broadcast_in_dim3A : vector<250x1x8x1xf32> to vector<250x8x8x128xf32>
    %mul3A_11 = arith.mulf %get3A_5, %mul3A : vector<250x8x8x128xf32>
    %get3A_12 = arith.constant 0 : index
    %get3A_13 = arith.constant 0 : index
    %get3A_14 = arith.constant 0 : index
    %get3A_15 = arith.constant 0 : index
    %get3A_16 = vector.load %arg5[%get3A_12, %get3A_13, %get3A_14, %get3A_15] : memref<1x8x1x128xf32, #tpu.memory_space<vmem>>, vector<1x8x1x128xf32>
    %exp23A = math.exp2 %mul3A_11 : vector<250x8x8x128xf32>
    %reduce_sum3A = arith.constant dense<0.000000e+00> : vector<8x128xf32>
    %reduce_sum3A_17 = vector.multi_reduction <add>, %exp23A, %reduce_sum3A [0, 2] : vector<250x8x8x128xf32> to vector<8x128xf32>
    %broadcast_in_dim3A_18 = vector.shape_cast %reduce_sum3A_17 : vector<8x128xf32> to vector<1x8x1x128xf32>
    %add3A = arith.addf %get3A_16, %broadcast_in_dim3A_18 : vector<1x8x1x128xf32>
    %swap3A = arith.constant 0 : index
    %swap3A_19 = arith.constant 0 : index
    %swap3A_20 = arith.constant 0 : index
    %swap3A_21 = arith.constant 0 : index
    %swap3A_22 = vector.load %arg5[%swap3A, %swap3A_19, %swap3A_20, %swap3A_21] : memref<1x8x1x128xf32, #tpu.memory_space<vmem>>, vector<1x8x1x128xf32>
    tpu.vector_store %arg5[%swap3A, %swap3A_19, %swap3A_20, %swap3A_21], %add3A {strides = array<i32>} : memref<1x8x1x128xf32, #tpu.memory_space<vmem>>, vector<1x8x1x128xf32>,
    %eq3A_23 = arith.constant 49 : i32
    %eq3A_24 = arith.cmpi eq, %arg0, %eq3A_23 : i32
    %convert_element_type3A_25 = arith.extui %eq3A_24 : i1 to i32
    %cond3A_26 = arith.constant 0 : i32
    %cond3A_27 = arith.cmpi ne, %convert_element_type3A_25, %cond3A_26 : i32
    scf.if %cond3A_27 {
      %get3A_28 = arith.constant 0 : index
      %get3A_29 = arith.constant 0 : index
      %get3A_30 = arith.constant 0 : index
      %get3A_31 = arith.constant 0 : index
      %get3A_32 = vector.load %arg3[%get3A_28, %get3A_29, %get3A_30, %get3A_31] : memref<1x8x1x128xf32, #tpu.memory_space<vmem>>, vector<1x8x1x128xf32>
      %exp23A_33 = math.exp2 %get3A_32 : vector<1x8x1x128xf32>
      %get3A_34 = arith.constant 0 : index
      %get3A_35 = arith.constant 0 : index
      %get3A_36 = arith.constant 0 : index
      %get3A_37 = arith.constant 0 : index
      %get3A_38 = vector.load %arg5[%get3A_34, %get3A_35, %get3A_36, %get3A_37] : memref<1x8x1x128xf32, #tpu.memory_space<vmem>>, vector<1x8x1x128xf32>
      %div3A = arith.divf %exp23A_33, %get3A_38 : vector<1x8x1x128xf32>
      %swap3A_39 = arith.constant 0 : index
      %swap3A_40 = arith.constant 0 : index
      %swap3A_41 = arith.constant 0 : index
      %swap3A_42 = arith.constant 0 : index
      %swap3A_43 = vector.load %arg4[%swap3A_39, %swap3A_40, %swap3A_41, %swap3A_42] : memref<1x8x1x128xf32, #tpu.memory_space<vmem>>, vector<1x8x1x128xf32>
      tpu.vector_store %arg4[%swap3A_39, %swap3A_40, %swap3A_41, %swap3A_42], %div3A {strides = array<i32>} : memref<1x8x1x128xf32, #tpu.memory_space<vmem>>, vector<1x8x1x128xf32>,
    } else {
    }
    return
  }
  func.func @transform_0(%arg0: i32) -> (i32, i32, i32, i32) {
    %c0_i32 = arith.constant 0 : i32
    %c0_i32_0 = arith.constant 0 : i32
    %c0_i32_1 = arith.constant 0 : i32
    %c0_i32_2 = arith.constant 0 : i32
    return %arg0, %c0_i32, %c0_i32_0, %c0_i32_1 : i32, i32, i32, i32
  }
  func.func @transform_1(%arg0: i32) -> (i32, i32, i32) {
    %c0_i32 = arith.constant 0 : i32
    %c0_i32_0 = arith.constant 0 : i32
    %c0_i32_1 = arith.constant 0 : i32
    return %arg0, %c0_i32, %c0_i32_0 : i32, i32, i32
  }
  func.func @transform_2(%arg0: i32) -> (i32, i32, i32, i32) {
    %c0_i32 = arith.constant 0 : i32
    %c0_i32_0 = arith.constant 0 : i32
    %c0_i32_1 = arith.constant 0 : i32
    %c0_i32_2 = arith.constant 0 : i32
    %c0_i32_3 = arith.constant 0 : i32
    return %c0_i32, %c0_i32_0, %c0_i32_1, %c0_i32_2 : i32, i32, i32, i32
  }
  func.func @transform_3(%arg0: i32) -> (i32, i32, i32, i32) {
    %c0_i32 = arith.constant 0 : i32
    %c0_i32_0 = arith.constant 0 : i32
    %c0_i32_1 = arith.constant 0 : i32
    %c0_i32_2 = arith.constant 0 : i32
    %c0_i32_3 = arith.constant 0 : i32
    return %c0_i32, %c0_i32_0, %c0_i32_1, %c0_i32_2 : i32, i32, i32, i32
  }
}

</mosaic_0001>

<sc_bundles>
// kernel: kernel.5.cloned.1.call-start
scs
__scs_entry_jumppad:
0x0: {  	(pc) =	sbr.rel $0x88, $3  }
0x1: {  	(tag) =	ssettag $0x0;
	lr =	simm.s32 $0x1  }
0x2: {  	[smem:$0x3F9A] =	sst lr;
	_ =	strace $0xD0000000  }
0x3: {  	_ = 	snop  }
0x4: {  	_ = 	snop  }
0x5: {  	_ = 	snop  }
0x6: {  	_ = 	snop  }
0x7: {  	_ = 	snop  }
__scs_overlays_trampoline_lowered:
0x8: {  	[smem:$0x3FA9] =	sst s0  }
0x9: {  	[smem:$0x3FAA] =	sst s1  }
0xa: {  	[smem:$0x3FAB] =	sst s2  }
0xb: {  	[smem:$0x3FAC] =	sst s3  }
0xc: {  	[smem:$0x3FAD] =	sst s4  }
0xd: {  	[smem:$0x3FAE] =	sst s5  }
0xe: {  	[smem:$0x3FAF] =	sst s6  }
0xf: {  	[smem:$0x3FB0] =	sst s7  }
0x10: {  	[smem:$0x3FB1] =	sst s8  }
0x11: {  	[smem:$0x3FB2] =	sst s9;
	s0 =	simm.s32 @!p0 $0x0  }
0x12: {  	s1 =	sld [smem:$0x3F98];
	s0 =	simm.s32 @p0 $0x1  }
0x13: {  	[smem:$0x3FB3] =	sst s0;
	s0 =	simm.s32 @!p1 $0x0  }
0x14: {  	s2 =	sld [smem:$0x3F97];
	s0 =	simm.s32 @p1 $0x1  }
0x15: {  	[smem:$0x3FB4] =	sst s0;
	s0 =	simm.s32 @!p2 $0x0  }
0x16: {  	s3 =	sld [smem:$0x3FDB];
	s0 =	simm.s32 @p2 $0x1  }
0x17: {  	s4 =	simm.s32 $0x1BF5;
	[smem:$0x3FB6] =	sst s0  }
0x18: {  	s0 =	sld [smem:$0x3F99];
	_ =	swait.ge [sflag:s4], $0x0  }
0x19: {  	s7 =	sld [smem:$0x3F9A]  }
0x1a: {  	s8 =	sadd.s32 $0xFFFFE003, lr  }
0x1b: {  	s9 =	sadd.s32 $0xFFFFFEF7, lr;
	s5 =	simm.s32 $0xFFFFFFFF;
	p2 =	slt.u32 s8, $0xFFFFF086  }
0x1c: {  	p1 =	slt.u32 s9, $0xF7A;
	s5 =	simm.s32 @!p2 $0x0  }
0x1d: {  	s5 =	simm.s32 @p1 $0x1;
	p0 =	seq.s32 s7, s2  }
0x1e: {  	s7 =	smul.u32 @!p0 $0xF7A, s2;
	p2 =	seq.s32 @!p0 s5, $0x0  }
0x1f: {  	s9 =	smul.u32 $0xF7A, s1;
	s8 =	simm.s32 @!p0 $0x1BF5;
	p2 =	por !p2, p0  }
0x20: {  	[sflag:s8] =	ssyncset.s32 @!p0 $0xFFFFF086;
	s6 =	sadd.s32 @!p0 s3, s7;
	s7 =	simm.s32 @!p0 $0x108  }
0x21: {  	s3 =	sadd.s32 s3, s9;
	s6 =	sadd.s32 @!p0 $0x88, s6;
	s7 =	simm.s32 @p2 $0x1082  }
0x22: {  	[simem:s7], [sflag:s8] =	dma.local @!p0 [hbm:s6], $0xF7A  }
0x23: {  	s9 =	sor.u32 $0xD0000000, s2;
	s6 =	simm.s32 $0x108;
	_ =	swait.ge @!p0 [sflag:s8], $0x0  }
0x24: {  	s3 =	sadd.s32 $0x88, s3;
	s6 =	simm.s32 @!p1 $0x1082;
	[sflag:s4] =	ssyncset.s32 $0xFFFFF086  }
0x25: {  	[simem:s6], [sflag:s4] =	dma.local [hbm:s3], $0xF7A  }
0x26: {  	[smem:$0x3F9A] =	sst s1;
	(tag) =	ssettag s2;
	_ =	strace s9  }
0x27: {  	s1 =	sld [smem:$0x3FAA]  }
0x28: {  	s2 =	sld [smem:$0x3FAB]  }
0x29: {  	s4 =	sld [smem:$0x3FAD]  }
0x2a: {  	p0 =	seq.s32 s5, $0x0;
	s5 =	sld [smem:$0x3FAE]  }
0x2b: {  	s6 =	sld [smem:$0x3FAF]  }
0x2c: {  	s7 =	sld [smem:$0x3FB0]  }
0x2d: {  	s3 =	simm.s32 $0x108;
	s8 =	sld [smem:$0x3FB1]  }
0x2e: {  	s3 =	simm.s32 @!p0 $0x1082;
	s9 =	sld [smem:$0x3FB2]  }
0x2f: {  	lr =	sadd.s32 s0, s3;
	s0 =	sld [smem:$0x3FA9]  }
0x30: {  	s3 =	sld [smem:$0x3FAC]  }
0x31: {  	[smem:$0x3FB5] =	sst s10  }
0x32: {  	s10 =	sld [smem:$0x3FB3];
	_ =	sdelay $0x3  }
0x33: {  	p0 =	seq.s32 s10, $0x1;
	s10 =	sld [smem:$0x3FB5];
	_ =	sdelay $0x3  }
0x34: {  	[smem:$0x3FB5] =	sst s10  }
0x35: {  	s10 =	sld [smem:$0x3FB4];
	_ =	sdelay $0x3  }
0x36: {  	p1 =	seq.s32 s10, $0x1;
	s10 =	sld [smem:$0x3FB5];
	_ =	sdelay $0x3  }
0x37: {  	[smem:$0x3FB5] =	sst s10  }
0x38: {  	s10 =	sld [smem:$0x3FB6]  }
0x39: {  	_ = 	snop;
	(pc) =	sbr.ind lr, $3  }
0x3a: {  	_ = 	snop  }
0x3b: {  	_ = 	snop  }
0x3c: {  	p2 =	seq.s32 s10, $0x1;
	s10 =	sld [smem:$0x3FB5]  }
0x3d: {  	_ =	shalt  }
0x3e: {  	_ =	shalt  }
0x3f: {  	_ =	shalt  }
0x40: {  	_ =	shalt  }
0x41: {  	_ =	shalt  }
0x42: {  	_ =	shalt  }
0x43: {  	_ =	shalt  }
0x44: {  	_ =	shalt  }
0x45: {  	_ =	shalt  }
0x46: {  	_ =	shalt  }
0x47: {  	_ =	shalt  }
0x48: {  	_ =	shalt  }
0x49: {  	_ =	shalt  }
0x4a: {  	_ =	shalt  }
0x4b: {  	_ =	shalt  }
0x4c: {  	_ =	shalt  }
0x4d: {  	_ =	shalt  }
0x4e: {  	_ =	shalt  }
0x4f: {  	_ =	shalt  }
0x50: {  	_ =	shalt  }
0x51: {  	_ =	shalt  }
0x52: {  	_ =	shalt  }
0x53: {  	_ =	shalt  }
0x54: {  	_ =	shalt  }
0x55: {  	_ =	shalt  }
0x56: {  	_ =	shalt  }
0x57: {  	_ =	shalt  }
0x58: {  	_ =	shalt  }
0x59: {  	_ =	shalt  }
0x5a: {  	_ =	shalt  }
0x5b: {  	_ =	shalt  }
0x5c: {  	_ =	shalt  }
0x5d: {  	_ =	shalt  }
0x5e: {  	_ =	shalt  }
0x5f: {  	_ =	shalt  }
0x60: {  	_ =	shalt  }
0x61: {  	_ =	shalt  }
0x62: {  	_ =	shalt  }
0x63: {  	_ =	shalt  }
0x64: {  	_ =	shalt  }
0x65: {  	_ =	shalt  }
0x66: {  	_ =	shalt  }
0x67: {  	_ =	shalt  }
0x68: {  	_ =	shalt  }
0x69: {  	_ =	shalt  }
0x6a: {  	_ =	shalt  }
0x6b: {  	_ =	shalt  }
0x6c: {  	_ =	shalt  }
0x6d: {  	_ =	shalt  }
0x6e: {  	_ =	shalt  }
0x6f: {  	_ =	shalt  }
0x70: {  	_ =	shalt  }
0x71: {  	_ =	shalt  }
0x72: {  	_ =	shalt  }
0x73: {  	_ =	shalt  }
0x74: {  	_ =	shalt  }
0x75: {  	_ =	shalt  }
0x76: {  	_ =	shalt  }
0x77: {  	_ =	shalt  }
0x78: {  	_ =	shalt  }
0x79: {  	_ =	shalt  }
0x7a: {  	_ =	shalt  }
0x7b: {  	_ =	shalt  }
0x7c: {  	_ =	shalt  }
0x7d: {  	_ =	shalt  }
0x7e: {  	_ =	shalt  }
0x7f: {  	_ =	shalt  }
0x80: {  	_ =	shalt  }
0x81: {  	_ =	shalt  }
0x82: {  	_ =	shalt  }
0x83: {  	_ =	shalt  }
0x84: {  	_ =	shalt  }
0x85: {  	_ =	shalt  }
0x86: {  	_ =	shalt  }
0x87: {  	_ =	shalt  }
.Lfunc_end0:
.L_simem_size_0:
called_computation_lowered:
.L_overlay_start_0:
0x88: {  	s2 =	sld [smem:$0x3FD9]  }
0x89: {  	s3 =	sld [smem:$0x3FFE];
	_ =	sdelay $0x1  }
0x8a: {  	s1 =	srdreg.scid  }
0x8b: {  	s0 =	sand.u32 $0x1, s1  }
0x8c: {  	s17 =	sshll.u32 s0, $0xA;
	s2 =	sadd.s32 s3, s2  }
0x8d: {  	s2 =	sadd.s32 s2, s17  }
0x8e: {  	[smem:$0x3FC1] =	sst s2  }
0x8f: {  	_ = 	snop  }
0x90: {  	s2 =	sld [smem:$0x3FC7]  }
0x91: {  	s18 =	sld [smem:$0x3FC6]  }
0x92: {  	s4 =	sld [smem:$0x3FD0];
	(tm) =	ssettm $0x1  }
0x93: {  	s5 =	sld [smem:$0x3FFB];
	_ =	sdelay $0x3  }
0x94: {  	_ =	strace s5  }
0x95: {  	s5 =	sld [smem:$0x3FFC];
	_ =	sdelay $0x3  }
0x96: {  	_ =	strace s5  }
0x97: {  	s5 =	sld [smem:$0x3FFD];
	_ =	sdelay $0x3  }
0x98: {  	_ =	strace s5  }
0x99: {  	_ =	strace $0x8FFFFFFF  }
0x9a: {  	s19 =	sld [smem:$0x3FDB];
	_ =	sdelay $0x1  }
0x9b: {  	s6 =	simm.s32 $_scs_section_size  }
0x9c: {  	s7 =	simm.s32 $_size__tile_overlayer_lowered;
	s8 =	simm.s32 $_tile_overlayer_lowered  }
0x9d: {  	s22 =	simm.s32 $0x1BFF;
	s21 =	sshll.u32 s8, $0x1;
	s5 =	sadd.s32 s6, s19  }
0x9e: {  	s9 =	simm.s32 $0x0;
	s20 =	sshll.u32 s7, $0x1;
	s7 =	sadd.s32 s21, s5  }
0x9f: {  	[timem:s9], [sflag:s22] =	dma.local [hbm:s7], s20  }
0xa0: {  	_ =	swait.ge [sflag:s22], s20  }
0xa1: {  	s6 =	ssub.s32 $0x0, s20;
	[sflag:s22] =	ssyncset.done $0x0  }
0xa2: {  	[sflag:s22] =	ssyncadd.s32 s6;
	_ =	sdelay $0x1  }
0xa3: {  	s23 =	simm.s32 $0x1B8B  }
0xa4: {  	_ =	swait.ge [sflag:s23], $0x1  }
0xa5: {  	[sflag:s23] =	ssyncset.done $0x0  }
0xa6: {  	s25 =	simm.s32 $0x1B8E;
	s24 =	sld [smem:$0x3FFE];
	[sflag:s23] =	ssyncadd.s32 $0xFFFFFFFF  }
0xa7: {  	s26 =	simm.s32 $execute0_lowered;
	[smem:$0x3FD2] =	sst s25  }
0xa8: {  	s7 =	sshll.u32 s26, $0x1;
	_ =	strace $0x80000046;
	[dreg:$0x1] =	wrdreg $0xFFFFFFFF  }
0xa9: {  	s28 =	simm.s32 $_size_execute0_lowered;
	s5 =	sadd.s32 s5, s7;
	[dreg:$0x0] =	wrdreg $0x0  }
0xaa: {  	s7 =	sshll.u32 s28, $0x1;
	[dreg:$0x2] =	wrdreg s5  }
0xab: {  	[dreg:$0x3] =	wrdreg s7  }
0xac: {  	[dreg:$0x4] =	wrdreg $0xC0  }
0xad: {  	_ =	task [dreg:s9], $0x5FFFF  }
0xae: {  	[dreg:$0x1] =	wrdreg $0xFFFFFFFF  }
0xaf: {  	[dreg:$0x0] =	wrdreg $0x60  }
0xb0: {  	[dreg:$0x2] =	wrdreg s2  }
0xb1: {  	[dreg:$0x3] =	wrdreg s18  }
0xb2: {  	[dreg:$0x4] =	wrdreg s4  }
0xb3: {  	[dreg:$0x5] =	wrdreg s24  }
0xb4: {  	[dreg:$0x6] =	wrdreg $0x9  }
0xb5: {  	_ =	task.clear_ibuf [dreg:s9], $0x7FFFF;
	_ =	strace $0x90000046  }
0xb6: {  	s29 =	simm.s32 $0x9;
	_ =	strace $0x80000048  }
0xb7: {  	_ =	swait.ge [sflag:s29], $0x1  }
0xb8: {  	[sflag:s29] =	ssyncadd.s32 $0xFFFFFFFF  }
0xb9: {  	_ =	strace $0x90000048  }
0xba: {  	_ =	sfence  }
0xbb: {  	s30 =	sld [smem:$0x0];
	_ =	sdelay $0x2  }
0xbc: {  	s31 =	sshll.u32 s1, $0xD;
	s1 =	sshrl.u32 s1, $0x2  }
0xbd: {  	s3 =	sand.u32 $0x4000, s31;
	s1 =	sadd.s32 s1, s30  }
0xbe: {  	s0 =	sor.u32 s3, s0;
	s1 =	sshll.u32 s1, $0x11  }
0xbf: {  	s0 =	sor.u32 s1, s0  }
0xc0: {  	s0 =	sadd.s32 $0x8F2B, s0  }
0xc1: {  	[sflag:s0] =	ssyncadd.remote.s32 $0x1  }
0xc2: {  	_ =	sfence.sel $0xFFFF  }
0xc3: {  	[dreg:$0x0] =	wrdreg $0xFFFFFFFF;
	(pc) =	sbr.abs _section_cstart, $3  }
0xc4: {  	[dreg:$0x1] =	wrdreg $0xFFFFFFFF  }
0xc5: {  	_ =	task.clear_ibuf [dreg:s9], $0x2FFFF;
	_ =	strace $0x9FFFFFFF  }
0xc6: {  	(tm) =	ssettm $0x7FFFFFFF  }
0xc7: {  	_ =	shalt  }
tec
execute0_lowered:
.L_overlay_start_1:
0x0: {  	(tag) =	ssettag $0x1  }
0x1: {  	s1 =	rddreg [dreg:$0x0]  }
0x2: {  	s2 =	rddreg [dreg:$0x1]  }
0x3: {  	s3 =	srdreg.scid;
	s4 =	rddreg [dreg:$0x2]  }
0x4: {  	s0 =	stileid.u32;
	s7 =	rddreg [dreg:$0x3]  }
0x5: {  	s5 =	simm.s32 $0x0;
	s6 =	sand.u32 $0x1, s3;
	s30 =	sshll.u32 s0, $0x1  }
0x6: {  	s9 =	simm.s32 $0x1;
	s12 =	simm.s32 $0x0;
	s3 =	sor.u32 s6, s30  }
0x7: {  	[smem:$0x7FF] =	sst s5;
	s6 =	ssub.s32 $0x2, s6;
	s10 =	smul.u32 $0xC40, s3  }
0x8: {  	s3 =	rddreg [dreg:$0x4];
	_ =	strace $0x80000047;
	s31 =	sshrl.u32 s6, $0x1  }
0x9: {  	s8 =	sshrl.u32 s10, $0x3;
	s11 =	sadd.s32 $0xC40, s10;
	v0 =	vmov s10;
	s10 =	simm.s32 $0x1480  }
0xa: {  	s7 =	sadd.s32 s8, s7;
	s8 =	ssub.s32 s6, s31;
	v1 =	vmov s11;
	s11 =	simm.s32 $0x1C80  }
0xb: {  	s6 =	sadd.s32 $0xC00, s7;
	s7 =	smax.u32 s8, $0x1;
	s8 =	simm.s32 $0xC80  }
.LBB2_1:
0xc: {  	[tilespmem:s8], [sflag:$0x1] =	stream.linear.gather [hbm4b:s1+s5], $0x800, $0x38;
	[tilespmem:$0x1D00] =	vst v63  }
0xd: {  	_ =	swait.ge [sflag:s9], $0x800  }
0xe: {  	[sflag:s9] =	ssyncset.done $0x0  }
0xf: {  	[sflag:s9] =	ssyncadd.s32 $0xFFFFF800  }
0x10: {  	[tilespmem:s10], [sflag:$0x1] =	stream.linear.gather [hbm4b:s2+s5], $0x800, $0x38;
	[tilespmem:$0x1D00] =	vst v63  }
0x11: {  	_ =	swait.ge [sflag:s9], $0x800  }
0x12: {  	[sflag:s9] =	ssyncset.done $0x0  }
0x13: {  	[sflag:s9] =	ssyncadd.s32 $0xFFFFF800  }
0x14: {  	[tilespmem:s11], [sflag:$0x1] =	stream.linear.gather [hbm4b:s4+s5], $0x80, $0x38;
	[tilespmem:$0x1D00] =	vst v63  }
0x15: {  	_ =	swait.ge [sflag:s9], $0x80  }
0x16: {  	[sflag:s9] =	ssyncset.done $0x0  }
0x17: {  	[sflag:s9] =	ssyncadd.s32 $0xFFFFFF80  }
0x18: {  	v4 =	vld [tilespmem:$0x1C80];
	_ =	sdelay $0x3  }
0x19: {  	s13 =	simm.s32 $0x40;
	v3 =	vld [tilespmem:$0x1C90]  }
0x1a: {  	v2 =	vld [tilespmem:$0x1CA0];
	[tilespmem:s13+$0xFFFFFFC0] =	vst v4  }
0x1b: {  	[tilespmem:s13+$0x30] =	vst v4  }
0x1c: {  	[tilespmem:s13+$0x20] =	vst v4  }
0x1d: {  	[tilespmem:s13+$0x10] =	vst v4  }
0x1e: {  	[tilespmem:s13+$0x0] =	vst v4  }
0x1f: {  	[tilespmem:s13+$0xFFFFFFF0] =	vst v4  }
0x20: {  	s14 =	simm.s32 $0x0;
	[tilespmem:s13+$0xFFFFFFE0] =	vst v4  }
.LBB2_2:
0x21: {  	s14 =	sadd.s32 $0x8, s14;
	[tilespmem:s13+$0xFFFFFFD0] =	vst v4;
	s13 =	sadd.s32 $0x80, s13  }
0x22: {  	[tilespmem:s13+$0xFFFFFFC0] =	vst v4;
	p0 =	slt.u32 s14, $0xB8  }
0x23: {  	[tilespmem:s13+$0x30] =	vst v4  }
.Ltmp0:
0x24: {  	[tilespmem:s13+$0x20] =	vst v4;
	(pc) =	sbr.rel @p0 .LBB2_2-.Ltmp0, $4  }
0x25: {  	[tilespmem:s13+$0x10] =	vst v4  }
0x26: {  	[tilespmem:s13+$0x0] =	vst v4  }
0x27: {  	[tilespmem:s13+$0xFFFFFFF0] =	vst v4  }
0x28: {  	[tilespmem:s13+$0xFFFFFFE0] =	vst v4  }
0x29: {  	[tilespmem:s13+$0xFFFFFFD0] =	vst v4  }
0x2a: {  	[tilespmem:$0xC00] =	vst v4  }
0x2b: {  	[tilespmem:$0xC10] =	vst v4  }
0x2c: {  	[tilespmem:$0xC20] =	vst v4  }
0x2d: {  	s13 =	simm.s32 $0xFFFFFFF8;
	s15 =	simm.s32 $0xCC0;
	s16 =	simm.s32 $0xFFFFFFF8;
	[tilespmem:$0xC30] =	vst v4  }
.LBB2_4:
0x2e: {  	v4 =	vld [tilespmem:s15+$0xFFFFFFC0];
	_ =	sdelay $0x4  }
0x2f: {  	vm0 =	vge.s32 v4, v0;
	vm1 =	vlt.s32 v4, v1  }
0x30: {  	v4 =	vsub.s32 v4, v0;
	vm0 =	vmand vm0, vm1  }
0x31: {  	v4 =	vnsel vm0, $0x0, v4;
	_ =	sdelay $0x4  }
0x32: {  	[tilespmem:v4+s5+$0x0] =	vst.idx.msk vm0, v3  }
0x33: {  	v4 =	vld [tilespmem:s15+$0xFFFFFFD0];
	_ =	sdelay $0x4  }
0x34: {  	vm14 =	vge.s32 v4, v0;
	vm15 =	vlt.s32 v4, v1  }
0x35: {  	v4 =	vsub.s32 v4, v0;
	vm0 =	vmand vm14, vm15  }
0x36: {  	v4 =	vnsel vm0, $0x0, v4;
	_ =	sdelay $0x4  }
0x37: {  	[tilespmem:v4+s5+$0x0] =	vst.idx.msk vm0, v3  }
0x38: {  	v4 =	vld [tilespmem:s15+$0xFFFFFFE0];
	_ =	sdelay $0x4  }
0x39: {  	vm4 =	vge.s32 v4, v0;
	vm5 =	vlt.s32 v4, v1  }
0x3a: {  	v4 =	vsub.s32 v4, v0;
	vm0 =	vmand vm4, vm5  }
0x3b: {  	v4 =	vnsel vm0, $0x0, v4;
	_ =	sdelay $0x4  }
0x3c: {  	[tilespmem:v4+s5+$0x0] =	vst.idx.msk vm0, v3  }
0x3d: {  	v4 =	vld [tilespmem:s15+$0xFFFFFFF0];
	_ =	sdelay $0x4  }
0x3e: {  	vm6 =	vge.s32 v4, v0;
	vm7 =	vlt.s32 v4, v1  }
0x3f: {  	v4 =	vsub.s32 v4, v0;
	vm0 =	vmand vm6, vm7  }
0x40: {  	v4 =	vnsel vm0, $0x0, v4;
	_ =	sdelay $0x4  }
0x41: {  	[tilespmem:v4+s5+$0x0] =	vst.idx.msk vm0, v3  }
0x42: {  	v4 =	vld [tilespmem:s15+$0x0];
	_ =	sdelay $0x4  }
0x43: {  	vm8 =	vge.s32 v4, v0;
	vm9 =	vlt.s32 v4, v1  }
0x44: {  	v4 =	vsub.s32 v4, v0;
	vm0 =	vmand vm8, vm9  }
0x45: {  	v4 =	vnsel vm0, $0x0, v4;
	_ =	sdelay $0x4  }
0x46: {  	[tilespmem:v4+s5+$0x0] =	vst.idx.msk vm0, v3  }
0x47: {  	v4 =	vld [tilespmem:s15+$0x10];
	_ =	sdelay $0x4  }
0x48: {  	vm10 =	vge.s32 v4, v0;
	vm11 =	vlt.s32 v4, v1  }
0x49: {  	v4 =	vsub.s32 v4, v0;
	vm0 =	vmand vm10, vm11  }
0x4a: {  	v4 =	vnsel vm0, $0x0, v4;
	_ =	sdelay $0x4  }
0x4b: {  	[tilespmem:v4+s5+$0x0] =	vst.idx.msk vm0, v3  }
0x4c: {  	v4 =	vld [tilespmem:s15+$0x20];
	_ =	sdelay $0x4  }
0x4d: {  	vm12 =	vge.s32 v4, v0;
	vm13 =	vlt.s32 v4, v1  }
0x4e: {  	v4 =	vsub.s32 v4, v0;
	vm0 =	vmand vm12, vm13  }
0x4f: {  	v4 =	vnsel vm0, $0x0, v4;
	_ =	sdelay $0x4  }
0x50: {  	[tilespmem:v4+s5+$0x0] =	vst.idx.msk vm0, v3  }
0x51: {  	v4 =	vld [tilespmem:s15+$0x30];
	_ =	sdelay $0x4  }
0x52: {  	vm14 =	vge.s32 v4, v0;
	vm15 =	vlt.s32 v4, v1  }
0x53: {  	s16 =	sadd.s32 $0x8, s16;
	v4 =	vsub.s32 v4, v0;
	vm0 =	vmand vm14, vm15  }
0x54: {  	p0 =	slt.u32 s16, $0x78;
	v4 =	vnsel vm0, $0x0, v4  }
.Ltmp1:
0x55: {  	_ = 	snop;
	(pc) =	sbr.rel @p0 .LBB2_4-.Ltmp1, $2  }
0x56: {  	_ =	sdelay $0x2  }
0x57: {  	s14 =	simm.s32 $0x14C0;
	s15 =	sadd.s32 $0x80, s15;
	[tilespmem:v4+s5+$0x0] =	vst.idx.msk vm0, v3  }
.LBB2_5:
0x58: {  	v3 =	vld [tilespmem:s14+$0xFFFFFFC0];
	_ =	sdelay $0x4  }
0x59: {  	vm0 =	vge.s32 v3, v0;
	vm1 =	vlt.s32 v3, v1  }
0x5a: {  	v3 =	vsub.s32 v3, v0;
	vm0 =	vmand vm0, vm1  }
0x5b: {  	v3 =	vnsel vm0, $0x0, v3;
	_ =	sdelay $0x4  }
0x5c: {  	v4 =	vld.idx.msk [tilespmem:v3+s5+$0x0], vm0;
	_ =	sdelay $0x4  }
0x5d: {  	v4 =	vmul.f32 v4, v2;
	_ =	sdelay $0x1  }
0x5e: {  	[tilespmem:v3+s5+$0x0] =	vst.idx.msk vm0, v4  }
0x5f: {  	v3 =	vld [tilespmem:s14+$0xFFFFFFD0];
	_ =	sdelay $0x4  }
0x60: {  	vm14 =	vge.s32 v3, v0;
	vm15 =	vlt.s32 v3, v1  }
0x61: {  	v3 =	vsub.s32 v3, v0;
	vm0 =	vmand vm14, vm15  }
0x62: {  	v3 =	vnsel vm0, $0x0, v3;
	_ =	sdelay $0x4  }
0x63: {  	v4 =	vld.idx.msk [tilespmem:v3+s5+$0x0], vm0;
	_ =	sdelay $0x4  }
0x64: {  	v4 =	vmul.f32 v4, v2;
	_ =	sdelay $0x1  }
0x65: {  	[tilespmem:v3+s5+$0x0] =	vst.idx.msk vm0, v4  }
0x66: {  	v3 =	vld [tilespmem:s14+$0xFFFFFFE0];
	_ =	sdelay $0x4  }
0x67: {  	vm4 =	vge.s32 v3, v0;
	vm5 =	vlt.s32 v3, v1  }
0x68: {  	v3 =	vsub.s32 v3, v0;
	vm0 =	vmand vm4, vm5  }
0x69: {  	v3 =	vnsel vm0, $0x0, v3;
	_ =	sdelay $0x4  }
0x6a: {  	v4 =	vld.idx.msk [tilespmem:v3+s5+$0x0], vm0;
	_ =	sdelay $0x4  }
0x6b: {  	v4 =	vmul.f32 v4, v2;
	_ =	sdelay $0x1  }
0x6c: {  	[tilespmem:v3+s5+$0x0] =	vst.idx.msk vm0, v4  }
0x6d: {  	v3 =	vld [tilespmem:s14+$0xFFFFFFF0];
	_ =	sdelay $0x4  }
0x6e: {  	vm6 =	vge.s32 v3, v0;
	vm7 =	vlt.s32 v3, v1  }
0x6f: {  	v3 =	vsub.s32 v3, v0;
	vm0 =	vmand vm6, vm7  }
0x70: {  	v3 =	vnsel vm0, $0x0, v3;
	_ =	sdelay $0x4  }
0x71: {  	v4 =	vld.idx.msk [tilespmem:v3+s5+$0x0], vm0;
	_ =	sdelay $0x4  }
0x72: {  	v4 =	vmul.f32 v4, v2;
	_ =	sdelay $0x1  }
0x73: {  	[tilespmem:v3+s5+$0x0] =	vst.idx.msk vm0, v4  }
0x74: {  	v3 =	vld [tilespmem:s14+$0x0];
	_ =	sdelay $0x4  }
0x75: {  	vm8 =	vge.s32 v3, v0;
	vm9 =	vlt.s32 v3, v1  }
0x76: {  	v3 =	vsub.s32 v3, v0;
	vm0 =	vmand vm8, vm9  }
0x77: {  	v3 =	vnsel vm0, $0x0, v3;
	_ =	sdelay $0x4  }
0x78: {  	v4 =	vld.idx.msk [tilespmem:v3+s5+$0x0], vm0;
	_ =	sdelay $0x4  }
0x79: {  	v4 =	vmul.f32 v4, v2;
	_ =	sdelay $0x1  }
0x7a: {  	[tilespmem:v3+s5+$0x0] =	vst.idx.msk vm0, v4  }
0x7b: {  	v3 =	vld [tilespmem:s14+$0x10];
	_ =	sdelay $0x4  }
0x7c: {  	vm10 =	vge.s32 v3, v0;
	vm11 =	vlt.s32 v3, v1  }
0x7d: {  	v3 =	vsub.s32 v3, v0;
	vm0 =	vmand vm10, vm11  }
0x7e: {  	v3 =	vnsel vm0, $0x0, v3;
	_ =	sdelay $0x4  }
0x7f: {  	v4 =	vld.idx.msk [tilespmem:v3+s5+$0x0], vm0;
	_ =	sdelay $0x4  }
0x80: {  	v4 =	vmul.f32 v4, v2;
	_ =	sdelay $0x1  }
0x81: {  	[tilespmem:v3+s5+$0x0] =	vst.idx.msk vm0, v4  }
0x82: {  	v3 =	vld [tilespmem:s14+$0x20];
	_ =	sdelay $0x4  }
0x83: {  	vm12 =	vge.s32 v3, v0;
	vm13 =	vlt.s32 v3, v1  }
0x84: {  	v3 =	vsub.s32 v3, v0;
	vm0 =	vmand vm12, vm13  }
0x85: {  	v3 =	vnsel vm0, $0x0, v3;
	_ =	sdelay $0x4  }
0x86: {  	v4 =	vld.idx.msk [tilespmem:v3+s5+$0x0], vm0;
	_ =	sdelay $0x4  }
0x87: {  	v4 =	vmul.f32 v4, v2;
	_ =	sdelay $0x1  }
0x88: {  	[tilespmem:v3+s5+$0x0] =	vst.idx.msk vm0, v4  }
0x89: {  	v3 =	vld [tilespmem:s14+$0x30];
	_ =	sdelay $0x4  }
0x8a: {  	vm14 =	vge.s32 v3, v0;
	vm15 =	vlt.s32 v3, v1  }
0x8b: {  	v3 =	vsub.s32 v3, v0;
	vm0 =	vmand vm14, vm15  }
0x8c: {  	v3 =	vnsel vm0, $0x0, v3;
	_ =	sdelay $0x4  }
0x8d: {  	v4 =	vld.idx.msk [tilespmem:v3+s5+$0x0], vm0  }
0x8e: {  	s13 =	sadd.s32 $0x8, s13  }
0x8f: {  	p0 =	slt.u32 s13, $0x78  }
.Ltmp2:
0x90: {  	_ = 	snop;
	(pc) =	sbr.rel @p0 .LBB2_5-.Ltmp2, $3  }
0x91: {  	_ = 	snop  }
0x92: {  	v4 =	vmul.f32 v4, v2;
	_ =	sdelay $0x1  }
0x93: {  	s14 =	sadd.s32 $0x80, s14;
	[tilespmem:v3+s5+$0x0] =	vst.idx.msk vm0, v4  }
0x94: {  	s12 =	sadd.s32 $0x1, s12  }
0x95: {  	p0 =	sne.s32 s12, s7  }
.Ltmp3:
0x96: {  	_ = 	snop;
	(pc) =	sbr.rel @p0 .LBB2_1-.Ltmp3, $4  }
0x97: {  	[hbm4b:s6+s5] =	stream.linear.scatter [tilespmem:s5], [sflag:$0x1], $0xC40, $0x38;
	[tilespmem:$0x1D00] =	vst v63  }
0x98: {  	_ =	swait.ge [sflag:s9], $0xC40  }
0x99: {  	[sflag:s9] =	ssyncset.done $0x0  }
0x9a: {  	[sflag:s9] =	ssyncadd.s32 $0xFFFFF3C0  }
0x9b: {  	_ =	sfence.sel $0x180000  }
0x9c: {  	[bflag:$0x0] =	sbarrier.arrive $0xFFFF  }
0x9d: {  	p0 =	sne.s32 s0, $0x0;
	_ =	strace $0x90000047  }
0x9e: {  	s0 =	sadd.s32 @!p0 $0x100000, s3;
	[bflag:$0x2] =	sbarrier.arrive $0xFFFF  }
0x9f: {  	[sflag:s0] =	ssyncadd.tile.s32 @!p0 $0x1;
	_ =	shalt  }
.Lfunc_end2:
_tile_overlayer_lowered:
.L_overlay_start_2:
0xa0: {  	(tag) =	ssettag $0x2  }
0xa1: {  	s0 =	rddreg [dreg:$0x0];
	s2 =	stileid.u32  }
0xa2: {  	s1 =	rddreg [dreg:$0x1];
	p0 =	sne.s32 s2, $0x0  }
0xa3: {  	s3 =	rddreg [dreg:$0x2];
	[bflag:$0x3] =	sbarrier.arrive $0xFFFF;
	s2 =	simm.s32 @!p0 $0x1C01  }
0xa4: {  	[timem:s3], [sflag:s2] =	dma.local @!p0 [hbm:s0], s1  }
0xa5: {  	s0 =	simm.s32 @!p0 $0x1  }
0xa6: {  	_ =	swait.ge @!p0 [sflag:s0], s1  }
0xa7: {  	s1 =	ssub.s32 @!p0 $0x0, s1;
	[sflag:s0] =	ssyncset.done @!p0 $0x0  }
0xa8: {  	[sflag:s0] =	ssyncadd.s32 @!p0 s1  }
0xa9: {  	[bflag:$0x3] =	sbarrier.arrive $0xFFFF  }
0xaa: {  	_ =	shalt  }

// kernel: kernel.8.cloned.1.call-start
scs
__scs_entry_jumppad:
0x0: {  	(pc) =	sbr.rel $0x88, $3  }
0x1: {  	(tag) =	ssettag $0x0;
	lr =	simm.s32 $0x1  }
0x2: {  	[smem:$0x3F9A] =	sst lr;
	_ =	strace $0xD0000000  }
0x3: {  	_ = 	snop  }
0x4: {  	_ = 	snop  }
0x5: {  	_ = 	snop  }
0x6: {  	_ = 	snop  }
0x7: {  	_ = 	snop  }
__scs_overlays_trampoline_lowered:
0x8: {  	[smem:$0x3FA9] =	sst s0  }
0x9: {  	[smem:$0x3FAA] =	sst s1  }
0xa: {  	[smem:$0x3FAB] =	sst s2  }
0xb: {  	[smem:$0x3FAC] =	sst s3  }
0xc: {  	[smem:$0x3FAD] =	sst s4  }
0xd: {  	[smem:$0x3FAE] =	sst s5  }
0xe: {  	[smem:$0x3FAF] =	sst s6  }
0xf: {  	[smem:$0x3FB0] =	sst s7  }
0x10: {  	[smem:$0x3FB1] =	sst s8  }
0x11: {  	[smem:$0x3FB2] =	sst s9;
	s0 =	simm.s32 @!p0 $0x0  }
0x12: {  	s1 =	sld [smem:$0x3F98];
	s0 =	simm.s32 @p0 $0x1  }
0x13: {  	[smem:$0x3FB3] =	sst s0;
	s0 =	simm.s32 @!p1 $0x0  }
0x14: {  	s2 =	sld [smem:$0x3F97];
	s0 =	simm.s32 @p1 $0x1  }
0x15: {  	[smem:$0x3FB4] =	sst s0;
	s0 =	simm.s32 @!p2 $0x0  }
0x16: {  	s3 =	sld [smem:$0x3FDB];
	s0 =	simm.s32 @p2 $0x1  }
0x17: {  	s4 =	simm.s32 $0x1BF5;
	[smem:$0x3FB6] =	sst s0  }
0x18: {  	s0 =	sld [smem:$0x3F99];
	_ =	swait.ge [sflag:s4], $0x0  }
0x19: {  	s7 =	sld [smem:$0x3F9A]  }
0x1a: {  	s8 =	sadd.s32 $0xFFFFE003, lr  }
0x1b: {  	s9 =	sadd.s32 $0xFFFFFEF7, lr;
	s5 =	simm.s32 $0xFFFFFFFF;
	p2 =	slt.u32 s8, $0xFFFFF086  }
0x1c: {  	p1 =	slt.u32 s9, $0xF7A;
	s5 =	simm.s32 @!p2 $0x0  }
0x1d: {  	s5 =	simm.s32 @p1 $0x1;
	p0 =	seq.s32 s7, s2  }
0x1e: {  	s7 =	smul.u32 @!p0 $0xF7A, s2;
	p2 =	seq.s32 @!p0 s5, $0x0  }
0x1f: {  	s9 =	smul.u32 $0xF7A, s1;
	s8 =	simm.s32 @!p0 $0x1BF5;
	p2 =	por !p2, p0  }
0x20: {  	[sflag:s8] =	ssyncset.s32 @!p0 $0xFFFFF086;
	s6 =	sadd.s32 @!p0 s3, s7;
	s7 =	simm.s32 @!p0 $0x108  }
0x21: {  	s3 =	sadd.s32 s3, s9;
	s6 =	sadd.s32 @!p0 $0x88, s6;
	s7 =	simm.s32 @p2 $0x1082  }
0x22: {  	[simem:s7], [sflag:s8] =	dma.local @!p0 [hbm:s6], $0xF7A  }
0x23: {  	s9 =	sor.u32 $0xD0000000, s2;
	s6 =	simm.s32 $0x108;
	_ =	swait.ge @!p0 [sflag:s8], $0x0  }
0x24: {  	s3 =	sadd.s32 $0x88, s3;
	s6 =	simm.s32 @!p1 $0x1082;
	[sflag:s4] =	ssyncset.s32 $0xFFFFF086  }
0x25: {  	[simem:s6], [sflag:s4] =	dma.local [hbm:s3], $0xF7A  }
0x26: {  	[smem:$0x3F9A] =	sst s1;
	(tag) =	ssettag s2;
	_ =	strace s9  }
0x27: {  	s1 =	sld [smem:$0x3FAA]  }
0x28: {  	s2 =	sld [smem:$0x3FAB]  }
0x29: {  	s4 =	sld [smem:$0x3FAD]  }
0x2a: {  	p0 =	seq.s32 s5, $0x0;
	s5 =	sld [smem:$0x3FAE]  }
0x2b: {  	s6 =	sld [smem:$0x3FAF]  }
0x2c: {  	s7 =	sld [smem:$0x3FB0]  }
0x2d: {  	s3 =	simm.s32 $0x108;
	s8 =	sld [smem:$0x3FB1]  }
0x2e: {  	s3 =	simm.s32 @!p0 $0x1082;
	s9 =	sld [smem:$0x3FB2]  }
0x2f: {  	lr =	sadd.s32 s0, s3;
	s0 =	sld [smem:$0x3FA9]  }
0x30: {  	s3 =	sld [smem:$0x3FAC]  }
0x31: {  	[smem:$0x3FB5] =	sst s10  }
0x32: {  	s10 =	sld [smem:$0x3FB3];
	_ =	sdelay $0x3  }
0x33: {  	p0 =	seq.s32 s10, $0x1;
	s10 =	sld [smem:$0x3FB5];
	_ =	sdelay $0x3  }
0x34: {  	[smem:$0x3FB5] =	sst s10  }
0x35: {  	s10 =	sld [smem:$0x3FB4];
	_ =	sdelay $0x3  }
0x36: {  	p1 =	seq.s32 s10, $0x1;
	s10 =	sld [smem:$0x3FB5];
	_ =	sdelay $0x3  }
0x37: {  	[smem:$0x3FB5] =	sst s10  }
0x38: {  	s10 =	sld [smem:$0x3FB6]  }
0x39: {  	_ = 	snop;
	(pc) =	sbr.ind lr, $3  }
0x3a: {  	_ = 	snop  }
0x3b: {  	_ = 	snop  }
0x3c: {  	p2 =	seq.s32 s10, $0x1;
	s10 =	sld [smem:$0x3FB5]  }
0x3d: {  	_ =	shalt  }
0x3e: {  	_ =	shalt  }
0x3f: {  	_ =	shalt  }
0x40: {  	_ =	shalt  }
0x41: {  	_ =	shalt  }
0x42: {  	_ =	shalt  }
0x43: {  	_ =	shalt  }
0x44: {  	_ =	shalt  }
0x45: {  	_ =	shalt  }
0x46: {  	_ =	shalt  }
0x47: {  	_ =	shalt  }
0x48: {  	_ =	shalt  }
0x49: {  	_ =	shalt  }
0x4a: {  	_ =	shalt  }
0x4b: {  	_ =	shalt  }
0x4c: {  	_ =	shalt  }
0x4d: {  	_ =	shalt  }
0x4e: {  	_ =	shalt  }
0x4f: {  	_ =	shalt  }
0x50: {  	_ =	shalt  }
0x51: {  	_ =	shalt  }
0x52: {  	_ =	shalt  }
0x53: {  	_ =	shalt  }
0x54: {  	_ =	shalt  }
0x55: {  	_ =	shalt  }
0x56: {  	_ =	shalt  }
0x57: {  	_ =	shalt  }
0x58: {  	_ =	shalt  }
0x59: {  	_ =	shalt  }
0x5a: {  	_ =	shalt  }
0x5b: {  	_ =	shalt  }
0x5c: {  	_ =	shalt  }
0x5d: {  	_ =	shalt  }
0x5e: {  	_ =	shalt  }
0x5f: {  	_ =	shalt  }
0x60: {  	_ =	shalt  }
0x61: {  	_ =	shalt  }
0x62: {  	_ =	shalt  }
0x63: {  	_ =	shalt  }
0x64: {  	_ =	shalt  }
0x65: {  	_ =	shalt  }
0x66: {  	_ =	shalt  }
0x67: {  	_ =	shalt  }
0x68: {  	_ =	shalt  }
0x69: {  	_ =	shalt  }
0x6a: {  	_ =	shalt  }
0x6b: {  	_ =	shalt  }
0x6c: {  	_ =	shalt  }
0x6d: {  	_ =	shalt  }
0x6e: {  	_ =	shalt  }
0x6f: {  	_ =	shalt  }
0x70: {  	_ =	shalt  }
0x71: {  	_ =	shalt  }
0x72: {  	_ =	shalt  }
0x73: {  	_ =	shalt  }
0x74: {  	_ =	shalt  }
0x75: {  	_ =	shalt  }
0x76: {  	_ =	shalt  }
0x77: {  	_ =	shalt  }
0x78: {  	_ =	shalt  }
0x79: {  	_ =	shalt  }
0x7a: {  	_ =	shalt  }
0x7b: {  	_ =	shalt  }
0x7c: {  	_ =	shalt  }
0x7d: {  	_ =	shalt  }
0x7e: {  	_ =	shalt  }
0x7f: {  	_ =	shalt  }
0x80: {  	_ =	shalt  }
0x81: {  	_ =	shalt  }
0x82: {  	_ =	shalt  }
0x83: {  	_ =	shalt  }
0x84: {  	_ =	shalt  }
0x85: {  	_ =	shalt  }
0x86: {  	_ =	shalt  }
0x87: {  	_ =	shalt  }
.Lfunc_end0:
.L_simem_size_0:
called_computation.1_lowered:
.L_overlay_start_0:
0x88: {  	s2 =	sld [smem:$0x3FD9]  }
0x89: {  	s3 =	sld [smem:$0x3FFE];
	_ =	sdelay $0x1  }
0x8a: {  	s1 =	srdreg.scid  }
0x8b: {  	s0 =	sand.u32 $0x1, s1  }
0x8c: {  	s17 =	sshll.u32 s0, $0xA;
	s2 =	sadd.s32 s3, s2  }
0x8d: {  	s2 =	sadd.s32 s2, s17  }
0x8e: {  	[smem:$0x3FC1] =	sst s2  }
0x8f: {  	_ = 	snop  }
0x90: {  	s2 =	sld [smem:$0x3FC9]  }
0x91: {  	s18 =	sld [smem:$0x3FC8]  }
0x92: {  	s4 =	sld [smem:$0x3FD0];
	(tm) =	ssettm $0x1  }
0x93: {  	s5 =	sld [smem:$0x3FFB];
	_ =	sdelay $0x3  }
0x94: {  	_ =	strace s5  }
0x95: {  	s5 =	sld [smem:$0x3FFC];
	_ =	sdelay $0x3  }
0x96: {  	_ =	strace s5  }
0x97: {  	s5 =	sld [smem:$0x3FFD];
	_ =	sdelay $0x3  }
0x98: {  	_ =	strace s5  }
0x99: {  	_ =	strace $0x8FFFFFFF  }
0x9a: {  	s19 =	sld [smem:$0x3FDB];
	_ =	sdelay $0x1  }
0x9b: {  	s6 =	simm.s32 $_scs_section_size  }
0x9c: {  	s7 =	simm.s32 $_size__tile_overlayer_lowered;
	s8 =	simm.s32 $_tile_overlayer_lowered  }
0x9d: {  	s22 =	simm.s32 $0x1BFF;
	s21 =	sshll.u32 s8, $0x1;
	s5 =	sadd.s32 s6, s19  }
0x9e: {  	s9 =	simm.s32 $0x0;
	s20 =	sshll.u32 s7, $0x1;
	s7 =	sadd.s32 s21, s5  }
0x9f: {  	[timem:s9], [sflag:s22] =	dma.local [hbm:s7], s20  }
0xa0: {  	_ =	swait.ge [sflag:s22], s20  }
0xa1: {  	s6 =	ssub.s32 $0x0, s20;
	[sflag:s22] =	ssyncset.done $0x0  }
0xa2: {  	[sflag:s22] =	ssyncadd.s32 s6;
	_ =	sdelay $0x1  }
0xa3: {  	s23 =	simm.s32 $0x1B8B  }
0xa4: {  	_ =	swait.ge [sflag:s23], $0x1  }
0xa5: {  	[sflag:s23] =	ssyncset.done $0x0  }
0xa6: {  	s25 =	simm.s32 $0x1B8E;
	s24 =	sld [smem:$0x3FFE];
	[sflag:s23] =	ssyncadd.s32 $0xFFFFFFFF  }
0xa7: {  	s26 =	simm.s32 $execute0_lowered;
	[smem:$0x3FD2] =	sst s25  }
0xa8: {  	s7 =	sshll.u32 s26, $0x1;
	_ =	strace $0x80000049;
	[dreg:$0x1] =	wrdreg $0xFFFFFFFF  }
0xa9: {  	s28 =	simm.s32 $_size_execute0_lowered;
	s5 =	sadd.s32 s5, s7;
	[dreg:$0x0] =	wrdreg $0x0  }
0xaa: {  	s7 =	sshll.u32 s28, $0x1;
	[dreg:$0x2] =	wrdreg s5  }
0xab: {  	[dreg:$0x3] =	wrdreg s7  }
0xac: {  	[dreg:$0x4] =	wrdreg $0xC0  }
0xad: {  	_ =	task [dreg:s9], $0x5FFFF  }
0xae: {  	[dreg:$0x1] =	wrdreg $0xFFFFFFFF  }
0xaf: {  	[dreg:$0x0] =	wrdreg $0x60  }
0xb0: {  	[dreg:$0x2] =	wrdreg s2  }
0xb1: {  	[dreg:$0x3] =	wrdreg s24  }
0xb2: {  	[dreg:$0x4] =	wrdreg s18  }
0xb3: {  	[dreg:$0x5] =	wrdreg s4  }
0xb4: {  	[dreg:$0x6] =	wrdreg $0x9  }
0xb5: {  	_ =	task.clear_ibuf [dreg:s9], $0x7FFFF;
	_ =	strace $0x90000049  }
0xb6: {  	s29 =	simm.s32 $0x9;
	_ =	strace $0x8000004B  }
0xb7: {  	_ =	swait.ge [sflag:s29], $0x1  }
0xb8: {  	[sflag:s29] =	ssyncadd.s32 $0xFFFFFFFF  }
0xb9: {  	_ =	strace $0x9000004B  }
0xba: {  	_ =	sfence  }
0xbb: {  	s30 =	sld [smem:$0x0];
	_ =	sdelay $0x2  }
0xbc: {  	s31 =	sshll.u32 s1, $0xD;
	s1 =	sshrl.u32 s1, $0x2  }
0xbd: {  	s3 =	sand.u32 $0x4000, s31;
	s1 =	sadd.s32 s1, s30  }
0xbe: {  	s0 =	sor.u32 s3, s0;
	s1 =	sshll.u32 s1, $0x11  }
0xbf: {  	s0 =	sor.u32 s1, s0  }
0xc0: {  	s0 =	sadd.s32 $0x8F2B, s0  }
0xc1: {  	[sflag:s0] =	ssyncadd.remote.s32 $0x1  }
0xc2: {  	_ =	sfence.sel $0xFFFF  }
0xc3: {  	[dreg:$0x0] =	wrdreg $0xFFFFFFFF;
	(pc) =	sbr.abs _section_cstart, $3  }
0xc4: {  	[dreg:$0x1] =	wrdreg $0xFFFFFFFF  }
0xc5: {  	_ =	task.clear_ibuf [dreg:s9], $0x2FFFF;
	_ =	strace $0x9FFFFFFF  }
0xc6: {  	(tm) =	ssettm $0x7FFFFFFF  }
0xc7: {  	_ =	shalt  }
tec
execute0_lowered:
.L_overlay_start_1:
0x0: {  	(tag) =	ssettag $0x1  }
0x1: {  	s2 =	rddreg [dreg:$0x0]  }
0x2: {  	s10 =	rddreg [dreg:$0x1];
	s1 =	srdreg.scid  }
0x3: {  	s4 =	rddreg [dreg:$0x2];
	s0 =	stileid.u32;
	s13 =	sand.u32 $0x1, s1  }
0x4: {  	s12 =	rddreg [dreg:$0x3];
	s5 =	sshll.u32 s0, $0x6;
	s6 =	sshll.u32 s13, $0x5  }
0x5: {  	s3 =	simm.s32 $0x0;
	s1 =	rddreg [dreg:$0x4];
	s6 =	sor.u32 s6, s5  }
0x6: {  	[smem:$0x7FF] =	sst s3;
	s14 =	sshrl.u32 s6, $0x3  }
0x7: {  	_ =	strace $0x8000004A;
	s5 =	sadd.s32 s4, s14;
	s4 =	simm.s32 $0x2  }
0x8: {  	[tilespmem:s3], [sflag:$0x2] =	stream.linear.gather [hbm4b:s5+s3], $0x20, $0x38;
	[tilespmem:$0x280] =	vst v63  }
0x9: {  	_ =	swait.ge [sflag:s4], $0x20  }
0xa: {  	[sflag:s4] =	ssyncset.done $0x0  }
0xb: {  	[sflag:s4] =	ssyncadd.s32 $0xFFFFFFE0  }
0xc: {  	v3 =	vld [tilespmem:$0x10]  }
0xd: {  	v1 =	vlaneseq.u32;
	v0 =	vmov s6  }
0xe: {  	v2 =	vor.u32 s6, v1;
	s6 =	sor.u32 $0x10, s6;
	v0 =	vshll.u32 v0, $0x3;
	v4 =	vld [tilespmem:$0x0]  }
0xf: {  	v2 =	vand.u32 $0x6F, v2;
	v5 =	vmov s6;
	v0 =	vand.u32 $0x1C00, v0  }
0x10: {  	v0 =	vor.u32 v0, v2;
	v2 =	vshll.u32 v5, $0x3  }
0x11: {  	v5 =	vor.u32 s6, v1;
	v1 =	vand.u32 $0x7FFFFC00, v2;
	v6 =	vshll.u32 v3, $0xA  }
0x12: {  	v2 =	vand.u32 $0x7F, v5;
	v3 =	vshll.u32 v3, $0x7;
	v5 =	vand.u32 $0xFFFFE000, v6  }
0x13: {  	v62 =	vshll.u32 v4, $0xA;
	v3 =	vand.u32 $0x380, v3;
	v5 =	vadd.s32 v1, v5  }
0x14: {  	v4 =	vshll.u32 v4, $0x7;
	v6 =	vand.u32 $0xFFFFE000, v62;
	v3 =	vor.u32 v3, v5  }
0x15: {  	v4 =	vand.u32 $0x380, v4;
	v5 =	vor.u32 v6, v0;
	v3 =	vor.u32 v2, v3  }
0x16: {  	s7 =	simm.s32 $0x80;
	v4 =	vor.u32 v4, v5;
	[tilespmem:$0x90] =	vst v3  }
0x17: {  	s8 =	simm.s32 $0x100;
	s9 =	simm.s32 $0x1;
	s6 =	simm.s32 $0x20;
	[tilespmem:$0x80] =	vst v4  }
0x18: {  	[tilespmem:s8], [sflag:$0x1] =	stream.indirect.gather [hbm4b:s2+s6], $0x1, s7, s6, $0xb8;
	[tilespmem:$0x280] =	vst v63  }
0x19: {  	_ =	swait.ge [sflag:s9], $0x20  }
0x1a: {  	[sflag:s9] =	ssyncset.done $0x0  }
0x1b: {  	s11 =	simm.s32 $0x180;
	s10 =	sadd.s32 $0xC00, s10;
	[sflag:s9] =	ssyncadd.s32 $0xFFFFFFE0  }
0x1c: {  	[tilespmem:s11], [sflag:$0x1] =	stream.indirect.gather [hbm4b:s10+s6], $0x1, s3, s6, $0xb8;
	[tilespmem:$0x280] =	vst v63  }
0x1d: {  	_ =	swait.ge [sflag:s9], $0x20  }
0x1e: {  	[sflag:s9] =	ssyncset.done $0x0  }
0x1f: {  	[sflag:s9] =	ssyncadd.s32 $0xFFFFFFE0  }
0x20: {  	s13 =	ssub.s32 $0x2, s13;
	v3 =	vld [tilespmem:$0x190]  }
0x21: {  	s15 =	sshrl.u32 s13, $0x1;
	v4 =	vld [tilespmem:$0x110]  }
0x22: {  	s13 =	ssub.s32 s13, s15;
	v5 =	vld [tilespmem:$0x100]  }
0x23: {  	s15 =	smax.u32 s13, $0x1;
	v63 =	vld [tilespmem:$0x180]  }
0x24: {  	p0 =	sne.s32 s15, $0x1  }
.Ltmp0:
0x25: {  	_ = 	snop;
	(pc) =	sbr.rel @!p0 .LBB2_2-.Ltmp0, $4  }
0x26: {  	_ = 	snop  }
0x27: {  	v4 =	vmul.f32 v3, v4  }
0x28: {  	v3 =	vmul.f32 v63, v5  }
0x29: {  	s12 =	sadd.s32 s12, s14;
	s13 =	simm.s32 $0x200;
	s14 =	sadd.s32 $0xFFFFFFFF, s15;
	[tilespmem:$0x210] =	vst v4  }
.LBB2_1:
0x2a: {  	p0 =	sne.s32 s14, $0x1;
	s14 =	sadd.s32 $0xFFFFFFFF, s14;
	[tilespmem:$0x200] =	vst v3  }
0x2b: {  	[hbm4b:s12+s3] =	stream.linear.scatter [tilespmem:s13], [sflag:$0x2], $0x20, $0x38;
	[tilespmem:$0x280] =	vst v63  }
0x2c: {  	_ =	swait.ge [sflag:s4], $0x20  }
0x2d: {  	[sflag:s4] =	ssyncset.done $0x0  }
0x2e: {  	[sflag:s4] =	ssyncadd.s32 $0xFFFFFFE0  }
0x2f: {  	[tilespmem:s3], [sflag:$0x2] =	stream.linear.gather [hbm4b:s5+s3], $0x20, $0x38;
	[tilespmem:$0x280] =	vst v63  }
0x30: {  	_ =	swait.ge [sflag:s4], $0x20  }
0x31: {  	[sflag:s4] =	ssyncset.done $0x0  }
0x32: {  	[sflag:s4] =	ssyncadd.s32 $0xFFFFFFE0  }
0x33: {  	v3 =	vld [tilespmem:$0x10]  }
0x34: {  	v4 =	vld [tilespmem:$0x0];
	_ =	sdelay $0x3  }
0x35: {  	v5 =	vshll.u32 v3, $0xA;
	v3 =	vshll.u32 v3, $0x7  }
0x36: {  	v6 =	vshll.u32 v4, $0xA;
	v4 =	vshll.u32 v4, $0x7;
	v5 =	vand.u32 $0xFFFFE000, v5  }
0x37: {  	v3 =	vand.u32 $0x380, v3;
	v6 =	vand.u32 $0xFFFFE000, v6;
	v5 =	vadd.s32 v1, v5  }
0x38: {  	v4 =	vand.u32 $0x380, v4;
	v6 =	vor.u32 v6, v0;
	v3 =	vor.u32 v3, v5  }
0x39: {  	v4 =	vor.u32 v4, v6;
	v3 =	vor.u32 v2, v3  }
0x3a: {  	[tilespmem:$0x90] =	vst v3  }
0x3b: {  	[tilespmem:$0x80] =	vst v4  }
0x3c: {  	[tilespmem:s8], [sflag:$0x1] =	stream.indirect.gather [hbm4b:s2+s6], $0x1, s7, s6, $0xb8;
	[tilespmem:$0x280] =	vst v63  }
0x3d: {  	_ =	swait.ge [sflag:s9], $0x20  }
0x3e: {  	[sflag:s9] =	ssyncset.done $0x0  }
0x3f: {  	[sflag:s9] =	ssyncadd.s32 $0xFFFFFFE0  }
0x40: {  	[tilespmem:s11], [sflag:$0x1] =	stream.indirect.gather [hbm4b:s10+s6], $0x1, s3, s6, $0xb8;
	[tilespmem:$0x280] =	vst v63  }
0x41: {  	_ =	swait.ge [sflag:s9], $0x20  }
0x42: {  	[sflag:s9] =	ssyncset.done $0x0  }
0x43: {  	[sflag:s9] =	ssyncadd.s32 $0xFFFFFFE0  }
0x44: {  	v3 =	vld [tilespmem:$0x100]  }
0x45: {  	v4 =	vld [tilespmem:$0x190]  }
0x46: {  	v5 =	vld [tilespmem:$0x110]  }
0x47: {  	v6 =	vld [tilespmem:$0x180];
	_ =	sdelay $0x1  }
.Ltmp1:
0x48: {  	(pc) =	sbr.rel @p0 .LBB2_1-.Ltmp1, $4  }
0x49: {  	_ = 	snop  }
0x4a: {  	v4 =	vmul.f32 v4, v5  }
0x4b: {  	v3 =	vmul.f32 v6, v3  }
0x4c: {  	[tilespmem:$0x210] =	vst v4  }
.LBB2_2:
0x4d: {  	[tilespmem:$0x200] =	vst v3  }
0x4e: {  	[hbm4b:s12+s3] =	stream.linear.scatter [tilespmem:s13], [sflag:$0x2], $0x20, $0x38;
	[tilespmem:$0x280] =	vst v63  }
0x4f: {  	_ =	swait.ge [sflag:s4], $0x20  }
0x50: {  	[sflag:s4] =	ssyncset.done $0x0  }
0x51: {  	[sflag:s4] =	ssyncadd.s32 $0xFFFFFFE0  }
0x52: {  	_ =	sfence.sel $0x180000  }
0x53: {  	[bflag:$0x0] =	sbarrier.arrive $0xFFFF  }
0x54: {  	p0 =	sne.s32 s0, $0x0;
	_ =	strace $0x9000004A  }
0x55: {  	s0 =	sadd.s32 @!p0 $0x100000, s1;
	[bflag:$0x2] =	sbarrier.arrive $0xFFFF  }
0x56: {  	[sflag:s0] =	ssyncadd.tile.s32 @!p0 $0x1;
	_ =	shalt  }
.Lfunc_end2:
_tile_overlayer_lowered:
.L_overlay_start_2:
0x57: {  	(tag) =	ssettag $0x2  }
0x58: {  	s0 =	rddreg [dreg:$0x0];
	s2 =	stileid.u32  }
0x59: {  	s1 =	rddreg [dreg:$0x1];
	p0 =	sne.s32 s2, $0x0  }
0x5a: {  	s3 =	rddreg [dreg:$0x2];
	[bflag:$0x3] =	sbarrier.arrive $0xFFFF;
	s2 =	simm.s32 @!p0 $0x1C02  }
0x5b: {  	[timem:s3], [sflag:s2] =	dma.local @!p0 [hbm:s0], s1  }
0x5c: {  	s0 =	simm.s32 @!p0 $0x2  }
0x5d: {  	_ =	swait.ge @!p0 [sflag:s0], s1  }
0x5e: {  	s1 =	ssub.s32 @!p0 $0x0, s1;
	[sflag:s0] =	ssyncset.done @!p0 $0x0  }
0x5f: {  	[sflag:s0] =	ssyncadd.s32 @!p0 s1  }
0x60: {  	[bflag:$0x3] =	sbarrier.arrive $0xFFFF  }
0x61: {  	_ =	shalt  }

</sc_bundles>
